<compile_context>
chip_gen: v7x
topology: tpu7x:2x2x1
jax: 0.10.2.dev20260603
libtpu: 0.0.44.dev20260713+nightly
codegen_flags: <defaults>
</compile_context>

<pallas_src>
import functools

import jax
import jax.numpy as jnp
from jax import lax
from jax.experimental import pallas as pl
from jax.experimental.pallas import tpu as pltpu
from jax.experimental.pallas import tpu_sc as plsc

_N = 10000
_E = 320000
_D = 128
_H = 128
_C = 16
_G = 64
_EPS = 1e-5

_NC = 2
_NS = 16
_NW = _NC * _NS
_EPW = _E // _NW
_CH = 125
_NCHUNK = 80
_GRP = 8
_NP = 10240
_RPT = _NP // _NS

_mesh = plsc.VectorSubcoreMesh(core_axis_name="c", subcore_axis_name="s")


@functools.partial(
    pl.kernel,
    out_type=jax.ShapeDtypeStruct((_NC, _NP, _H), jnp.float32),
    mesh=_mesh,
    scratch_types=[
        pltpu.VMEM((_NCHUNK, _CH), jnp.int32),
        pltpu.VMEM((_CH, _H), jnp.float32),
        pltpu.VMEM_SHARED((_NP, _H), jnp.float32),
    ],
)
def _sc_degree(dst_h, ones_h, zer_h, out_h, idx_v, ones_v, deg_sh):
    c = lax.axis_index("c")
    s = lax.axis_index("s")
    w = c * _NS + s
    pltpu.sync_copy(zer_h, deg_sh.at[pl.ds(s * _RPT, _RPT)])
    pltpu.sync_copy(ones_h, ones_v)
    pltpu.sync_copy(dst_h.at[w], idx_v)
    plsc.subcore_barrier()

    def step(j, carry):
        pltpu.sync_copy(ones_v, deg_sh.at[idx_v.at[j]], add=True)
        return carry

    lax.fori_loop(0, _NCHUNK, step, 0)
    plsc.subcore_barrier()
    pltpu.sync_copy(deg_sh.at[pl.ds(s * _RPT, _RPT)],
                    out_h.at[c, pl.ds(s * _RPT, _RPT)])


@functools.partial(
    pl.kernel,
    out_type=jax.ShapeDtypeStruct((_NC, _NP, _H), jnp.float32),
    mesh=_mesh,
    scratch_types=[
        pltpu.VMEM((_NCHUNK, _CH), jnp.int32),
        pltpu.VMEM((_GRP, _CH), jnp.int32),
        pltpu.VMEM((_CH, _H), jnp.float32),
        pltpu.VMEM((_CH, _H), jnp.float32),
        pltpu.VMEM_SHARED((_NP, _H), jnp.float32),
        pltpu.SemaphoreType.DMA,
        pltpu.SemaphoreType.DMA,
        pltpu.SemaphoreType.DMA,
    ],
)
def _sc_segsum(xs_h, src_h, dst_h, zer_h, out_h,
               sidx, dring, rows0, rows1, acc_sh, gsem, ssem0, ssem1):
    c = lax.axis_index("c")
    s = lax.axis_index("s")
    w = c * _NS + s
    pltpu.sync_copy(zer_h, acc_sh.at[pl.ds(s * _RPT, _RPT)])
    pltpu.sync_copy(src_h.at[w], sidx)
    plsc.subcore_barrier()
    pltpu.async_copy(xs_h.at[sidx.at[0]], rows0, gsem).wait()

    def step(k, carry):
        base = k * _GRP
        pltpu.sync_copy(dst_h.at[w, pl.ds(base, _GRP)], dring)
        for p in range(_GRP // 2):
            j1 = base + 2 * p + 1
            s0 = pltpu.async_copy(rows0, acc_sh.at[dring.at[2 * p]],
                                  ssem0, add=True)
            pltpu.async_copy(xs_h.at[sidx.at[j1]], rows1, gsem).wait()
            s1 = pltpu.async_copy(rows1, acc_sh.at[dring.at[2 * p + 1]],
                                  ssem1, add=True)
            s0.wait()
            if p < _GRP // 2 - 1:
                pltpu.async_copy(xs_h.at[sidx.at[j1 + 1]], rows0,
                                 gsem).wait()
            else:
                @pl.when(k < _NCHUNK // _GRP - 1)
                def _():
                    pltpu.async_copy(xs_h.at[sidx.at[j1 + 1]], rows0,
                                     gsem).wait()
            s1.wait()
        return carry

    lax.fori_loop(0, _NCHUNK // _GRP, step, 0)
    plsc.subcore_barrier()
    pltpu.sync_copy(acc_sh.at[pl.ds(s * _RPT, _RPT)],
                    out_h.at[c, pl.ds(s * _RPT, _RPT)])


def _dinv_from_partials(degp):
    deg = degp[0, :_N, 0:1] + degp[1, :_N, 0:1] + 1.0
    return lax.rsqrt(deg)


def _tc_pre_body(x_ref, w1_ref, g1_ref, degp_ref, u1_ref, xs1_ref):
    s1 = g1_ref[:] * (1.0 / jnp.sqrt(1.0 + _EPS))
    w1f = w1_ref[:] * s1[None, :]
    u1 = jnp.dot(x_ref[:], w1f, preferred_element_type=jnp.float32)
    dinv = _dinv_from_partials(degp_ref[:])
    u1_ref[:] = u1
    xs1_ref[:] = u1 * dinv


def _tc_mid_body(a_ref, u1_ref, degp_ref, w2_ref, b1_ref, g1_ref, bb1_ref,
                 u2_ref, xs2_ref):
    dinv = _dinv_from_partials(degp_ref[:])
    s1 = g1_ref[:] * (1.0 / jnp.sqrt(1.0 + _EPS))
    b1f = b1_ref[:] * s1 + bb1_ref[:]
    agg = dinv * (a_ref[0, :_N] + a_ref[1, :_N]) + (dinv * dinv) * u1_ref[:]
    h = jnp.maximum(agg + b1f[None, :], 0.0)
    u2 = jnp.dot(h, w2_ref[:], preferred_element_type=jnp.float32)
    u2_ref[:] = u2
    xs2_ref[:] = u2 * dinv


def _tc_post_body(b_ref, u2_ref, degp_ref, b2_ref, bat_ref,
                  cw1_ref, cb1_ref, cg_ref, cbb_ref, cw2_ref, cb2_ref,
                  pred_ref, rep_ref):
    dinv = _dinv_from_partials(degp_ref[:])
    emb = (dinv * (b_ref[0, :_N] + b_ref[1, :_N]) + (dinv * dinv) * u2_ref[:]
           + b2_ref[:][None, :])
    seg = lax.broadcasted_iota(jnp.int32, (_G, _N), 0)
    oh = (seg == bat_ref[:]).astype(jnp.float32)
    counts = jnp.sum(oh, axis=1, keepdims=True)
    sums = jnp.dot(oh, emb, preferred_element_type=jnp.float32)
    rep = sums / jnp.maximum(counts, 1.0)
    rep = rep / jnp.sqrt(jnp.sum(rep * rep, axis=1, keepdims=True))
    cs = cg_ref[:] * (1.0 / jnp.sqrt(1.0 + _EPS))
    z = jnp.dot(rep, cw1_ref[:], preferred_element_type=jnp.float32)
    z = jnp.maximum((z + cb1_ref[:][None, :]) * cs[None, :] + cbb_ref[:][None, :], 0.0)
    z = jnp.dot(z, cw2_ref[:], preferred_element_type=jnp.float32) + cb2_ref[:][None, :]
    m = jnp.max(z, axis=1, keepdims=True)
    lse = m + jnp.log(jnp.sum(jnp.exp(z - m), axis=1, keepdims=True))
    pred_ref[:] = z - lse
    rep_ref[:] = rep


_tc_pre = pl.pallas_call(
    _tc_pre_body,
    out_shape=[jax.ShapeDtypeStruct((_N, _H), jnp.float32),
               jax.ShapeDtypeStruct((_N, _H), jnp.float32)],
)
_tc_mid = pl.pallas_call(
    _tc_mid_body,
    out_shape=[jax.ShapeDtypeStruct((_N, _H), jnp.float32),
               jax.ShapeDtypeStruct((_N, _H), jnp.float32)],
)
_tc_post = pl.pallas_call(
    _tc_post_body,
    out_shape=[jax.ShapeDtypeStruct((_G, _C), jnp.float32),
               jax.ShapeDtypeStruct((_G, _H), jnp.float32)],
)


def kernel(x, edge_index, batch, W1, b1, bn1_g, bn1_b, W2, b2,
           cW1, cb1, cbn_g, cbn_b, cW2, cb2):
    src3 = edge_index[0].reshape(_NW, _NCHUNK, _CH)
    dst3 = edge_index[1].reshape(_NW, _NCHUNK, _CH)
    bat2 = batch.reshape(1, _N)
    ones_row = jnp.ones((_CH, _H), jnp.float32)
    zer_row = jnp.zeros((_RPT, _H), jnp.float32)

    degp = _sc_degree(dst3, ones_row, zer_row)
    u1, xs1 = _tc_pre(x, W1, bn1_g, degp)
    a_part = _sc_segsum(xs1, src3, dst3, zer_row)
    u2, xs2 = _tc_mid(a_part, u1, degp, W2, b1, bn1_g, bn1_b)
    b_part = _sc_segsum(xs2, src3, dst3, zer_row)
    pred, rep = _tc_post(b_part, u2, degp, b2, bat2,
                         cW1, cb1, cbn_g, cbn_b, cW2, cb2)
    return (pred, rep)

# --- scband reference (transcript-rebuilt; emitter-appended) ---
"""Pipeline reference for scband-stnet-52183852646437 (READ-ONLY COPY).

The authoritative reference and input builder live on the scoring server;
editing this copy changes nothing except your own understanding.
"""

import jax, jax.numpy as jnp
import numpy as np

N = 10000
E = 320000
D = 128
H = 128
C = 16
G = 64
EPS = 1e-5


def _lin(key, fan_in, fan_out):
    bound = 1.0 / np.sqrt(fan_in)
    kw, kb = jax.random.split(key)
    W = jax.random.uniform(kw, (fan_in, fan_out), minval=-bound, maxval=bound, dtype=jnp.float32)
    b = jax.random.uniform(kb, (fan_out,), minval=-bound, maxval=bound, dtype=jnp.float32)
    return W, b


def setup_inputs(seed: int = 0):
    key = jax.random.key(seed)
    ks = jax.random.split(key, 8)
    x = jax.random.normal(ks[0], (N, D), dtype=jnp.float32)
    edge_index = jax.random.randint(ks[1], (2, E), 0, N, dtype=jnp.int32)
    batch = jnp.sort(jax.random.randint(ks[2], (N,), 0, G, dtype=jnp.int32))
    W1, b1 = _lin(ks[3], D, H)
    W2, b2 = _lin(ks[4], H, H)
    cW1, cb1 = _lin(ks[5], H, H)
    cW2, cb2 = _lin(ks[6], H, C)
    return {
        'x': x, 'edge_index': edge_index, 'batch': batch,
        'W1': W1, 'b1': b1,
        'bn1_g': jnp.ones((H,), jnp.float32), 'bn1_b': jnp.zeros((H,), jnp.float32),
        'W2': W2, 'b2': b2,
        'cW1': cW1, 'cb1': cb1,
        'cbn_g': jnp.ones((H,), jnp.float32), 'cbn_b': jnp.zeros((H,), jnp.float32),
        'cW2': cW2, 'cb2': cb2,
    }


def gcn_conv(x, src, dst, n):
    # symmetric-normalized GCN aggregation with self-loops
    deg = jnp.zeros((n,), x.dtype).at[dst].add(1.0) + 1.0
    dinv = jax.lax.rsqrt(deg)
    coef = dinv[src] * dinv[dst]
    msgs = jnp.take(x, src, axis=0) * coef[:, None]
    agg = jnp.zeros_like(x).at[dst].add(msgs)
    agg = agg + x * (dinv * dinv)[:, None]
    return agg


def bn_eval(h, g, b):
    # BatchNorm1d in eval mode: running_mean=0, running_var=1
    return h / jnp.sqrt(1.0 + EPS) * g + b


def reference(x, edge_index, batch, W1, b1, bn1_g, bn1_b, W2, b2, cW1, cb1, cbn_g, cbn_b, cW2, cb2):
    src = edge_index[0]
    dst = edge_index[1]
    # GCN backbone (2 layers, BN after first layer, dropout inactive in eval)
    h = gcn_conv(x, src, dst, N) @ W1 + b1
    h = jax.nn.relu(bn_eval(h, bn1_g, bn1_b))
    node_emb = gcn_conv(h, src, dst, N) @ W2 + b2
    # avg_pool over graphs
    counts = jnp.zeros((G,), jnp.float32).at[batch].add(1.0)
    sums = jax.ops.segment_sum(node_emb, batch, num_segments=G)
    rep = sums / jnp.maximum(counts, 1.0)[:, None]
    rep = rep / jnp.linalg.norm(rep, axis=1, keepdims=True)
    # Classifier: Linear -> BN -> ReLU -> (dropout off) -> Linear -> log_softmax
    z = rep @ cW1 + cb1
    z = jax.nn.relu(bn_eval(z, cbn_g, cbn_b))
    z = z @ cW2 + cb2
    pred = jax.nn.log_softmax(z, axis=1)
    return (pred, rep)

if __name__ == "__main__":
    import jax
    _d = setup_inputs()
    print(jax.jit(kernel)(*tuple(_d.values())))

</pallas_src>

<mosaic_0001>
#map = affine_map<(d0, d1) -> (0, 0)>
#map1 = affine_map<(d0, d1) -> (0, 0, 0)>
module attributes {stable_mosaic.version = 14 : i64} {
  func.func @_sc_segsum(%arg0: i32, %arg1: i32, %arg2: memref<10000x128xf32, #tpu.memory_space<hbm>>, %arg3: memref<32x80x125xi32, #tpu.memory_space<hbm>>, %arg4: memref<32x80x125xi32, #tpu.memory_space<hbm>>, %arg5: memref<640x128xf32, #tpu.memory_space<hbm>>, %arg6: memref<2x10240x128xf32, #tpu.memory_space<hbm>>, %arg7: memref<80x125xi32, #tpu.memory_space<vmem>>, %arg8: memref<8x125xi32, #tpu.memory_space<vmem>>, %arg9: memref<125x128xf32, #tpu.memory_space<vmem>>, %arg10: memref<125x128xf32, #tpu.memory_space<vmem>>, %arg11: memref<10240x128xf32, #tpu.memory_space<vmem_shared>>, %arg12: memref<!tpu.dma_semaphore, #tpu.memory_space<semaphore_mem>>, %arg13: memref<!tpu.dma_semaphore, #tpu.memory_space<semaphore_mem>>, %arg14: memref<!tpu.dma_semaphore, #tpu.memory_space<semaphore_mem>>) attributes {dimension_semantics = [#tpu.dimension_semantics<core_parallel>, #tpu.dimension_semantics<subcore_parallel>], iteration_bounds = array<i64: 2, 16>, scalar_prefetch = 0 : i64, scratch_operands = 8 : i64, tpu.core_type = #tpu.core_type<sc_vector_subcore>, window_params = [{transform_indices = #map}, {transform_indices = #map1}, {transform_indices = #map1}, {transform_indices = #map}, {transform_indices = #map1}]} {
    %mul3A = arith.constant 16 : i32
    %mul3A_0 = arith.muli %arg0, %mul3A : i32
    %add3A = arith.addi %mul3A_0, %arg1 : i32
    %mul3A_1 = arith.constant 640 : i32
    %mul3A_2 = arith.muli %arg1, %mul3A_1 : i32
    "tpu.region"() ({
      %run_scoped3A = tpu.sem_alloc : memref<!tpu.dma_semaphore, #tpu.memory_space<semaphore_mem>>
      %dma_start3A_25 = arith.constant 0 : i32
      %dma_start3A_26 = tpu.memref_slice %arg11[%mul3A_2, %dma_start3A_25] : memref<10240x128xf32, #tpu.memory_space<vmem_shared>> -> memref<640x128xf32, #tpu.memory_space<vmem_shared>>
      tpu.enqueue_dma source(%arg5 : memref<640x128xf32, #tpu.memory_space<hbm>>) target(%dma_start3A_26 : memref<640x128xf32, #tpu.memory_space<vmem_shared>>) target_semaphore(%run_scoped3A : memref<!tpu.dma_semaphore, #tpu.memory_space<semaphore_mem>>)
      %dma_wait3A_27 = arith.constant 0 : i32
      %dma_wait3A_28 = tpu.memref_slice %arg11[%mul3A_2, %dma_wait3A_27] : memref<10240x128xf32, #tpu.memory_space<vmem_shared>> -> memref<640x128xf32, #tpu.memory_space<vmem_shared>>
      tpu.wait_dma2 semaphore(%run_scoped3A : memref<!tpu.dma_semaphore, #tpu.memory_space<semaphore_mem>>) src(%arg5 : memref<640x128xf32, #tpu.memory_space<hbm>>) dst(%dma_wait3A_28 : memref<640x128xf32, #tpu.memory_space<vmem_shared>>)
      tpu.yield
    }) : () -> ()
    "tpu.region"() ({
      %run_scoped3A = tpu.sem_alloc : memref<!tpu.dma_semaphore, #tpu.memory_space<semaphore_mem>>
      %dma_start3A_25 = arith.constant 0 : i32
      %dma_start3A_26 = arith.constant 0 : i32
      %dma_start3A_27 = tpu.memref_slice %arg3[%add3A, %dma_start3A_25, %dma_start3A_26] : memref<32x80x125xi32, #tpu.memory_space<hbm>> -> memref<1x80x125xi32, #tpu.memory_space<hbm>>
      %dma_start3A_28 = tpu.memref_squeeze %dma_start3A_27 : memref<1x80x125xi32, #tpu.memory_space<hbm>> -> memref<80x125xi32, #tpu.memory_space<hbm>>
      %dma_start3A_29 = arith.constant 0 : i32
      %dma_start3A_30 = arith.constant 0 : i32
      %dma_start3A_31 = tpu.memref_slice %arg3[%add3A, %dma_start3A_29, %dma_start3A_30] : memref<32x80x125xi32, #tpu.memory_space<hbm>> -> memref<1x80x125xi32, #tpu.memory_space<hbm>>
      %dma_start3A_32 = tpu.memref_squeeze %dma_start3A_31 : memref<1x80x125xi32, #tpu.memory_space<hbm>> -> memref<80x125xi32, #tpu.memory_space<hbm>>
      tpu.enqueue_dma source(%dma_start3A_32 : memref<80x125xi32, #tpu.memory_space<hbm>>) target(%arg7 : memref<80x125xi32, #tpu.memory_space<vmem>>) target_semaphore(%run_scoped3A : memref<!tpu.dma_semaphore, #tpu.memory_space<semaphore_mem>>)
      %dma_wait3A_33 = arith.constant 0 : i32
      %dma_wait3A_34 = arith.constant 0 : i32
      %dma_wait3A_35 = tpu.memref_slice %arg3[%add3A, %dma_wait3A_33, %dma_wait3A_34] : memref<32x80x125xi32, #tpu.memory_space<hbm>> -> memref<1x80x125xi32, #tpu.memory_space<hbm>>
      %dma_wait3A_36 = tpu.memref_squeeze %dma_wait3A_35 : memref<1x80x125xi32, #tpu.memory_space<hbm>> -> memref<80x125xi32, #tpu.memory_space<hbm>>
      %dma_wait3A_37 = arith.constant 0 : i32
      %dma_wait3A_38 = arith.constant 0 : i32
      %dma_wait3A_39 = tpu.memref_slice %arg3[%add3A, %dma_wait3A_37, %dma_wait3A_38] : memref<32x80x125xi32, #tpu.memory_space<hbm>> -> memref<1x80x125xi32, #tpu.memory_space<hbm>>
      %dma_wait3A_40 = tpu.memref_squeeze %dma_wait3A_39 : memref<1x80x125xi32, #tpu.memory_space<hbm>> -> memref<80x125xi32, #tpu.memory_space<hbm>>
      tpu.wait_dma2 semaphore(%run_scoped3A : memref<!tpu.dma_semaphore, #tpu.memory_space<semaphore_mem>>) src(%dma_wait3A_40 : memref<80x125xi32, #tpu.memory_space<hbm>>) dst(%arg7 : memref<80x125xi32, #tpu.memory_space<vmem>>)
      tpu.yield
    }) : () -> ()
    %barrier3A = arith.constant 0 : index
    tpu.barrier barrier_id(%barrier3A)
    %dma_start3A = arith.constant 0 : i32
    %dma_start3A_3 = arith.constant 0 : i32
    %dma_start3A_4 = tpu.memref_slice %arg7[%dma_start3A, %dma_start3A_3] : memref<80x125xi32, #tpu.memory_space<vmem>> -> memref<1x125xi32, #tpu.memory_space<vmem>>
    %dma_start3A_5 = tpu.memref_squeeze %dma_start3A_4 : memref<1x125xi32, #tpu.memory_space<vmem>> -> memref<125xi32, #tpu.memory_space<vmem>>
    %dma_start3A_6 = arith.constant 0 : i32
    %dma_start3A_7 = arith.constant 0 : i32
    %dma_start3A_8 = tpu.memref_slice %arg2[%dma_start3A_6, %dma_start3A_7] : memref<10000x128xf32, #tpu.memory_space<hbm>> -> memref<10000x128xf32, #tpu.memory_space<hbm>>
    tpu.enqueue_indirect_dma source(%dma_start3A_8 : memref<10000x128xf32, #tpu.memory_space<hbm>>) target(%arg9 : memref<125x128xf32, #tpu.memory_space<vmem>>) offsets(%dma_start3A_5 : memref<125xi32, #tpu.memory_space<vmem>>) semaphore(%arg12 : memref<!tpu.dma_semaphore, #tpu.memory_space<semaphore_mem>>)
    %dma_wait3A = arith.constant 0 : i32
    %dma_wait3A_9 = arith.constant 0 : i32
    %dma_wait3A_10 = tpu.memref_slice %arg7[%dma_wait3A, %dma_wait3A_9] : memref<80x125xi32, #tpu.memory_space<vmem>> -> memref<1x125xi32, #tpu.memory_space<vmem>>
    %dma_wait3A_11 = tpu.memref_squeeze %dma_wait3A_10 : memref<1x125xi32, #tpu.memory_space<vmem>> -> memref<125xi32, #tpu.memory_space<vmem>>
    %dma_wait3A_12 = arith.constant 0 : i32
    %dma_wait3A_13 = arith.constant 0 : i32
    %dma_wait3A_14 = tpu.memref_slice %arg2[%dma_wait3A_12, %dma_wait3A_13] : memref<10000x128xf32, #tpu.memory_space<hbm>> -> memref<10000x128xf32, #tpu.memory_space<hbm>>
    tpu.wait_indirect_dma semaphore(%arg12 : memref<!tpu.dma_semaphore, #tpu.memory_space<semaphore_mem>>) src(%dma_wait3A_14 : memref<10000x128xf32, #tpu.memory_space<hbm>>) dst(%arg9 : memref<125x128xf32, #tpu.memory_space<vmem>>)
    %scan3A = arith.constant 0 : i32
    %scan3A_15 = arith.constant 0 : i32
    %scan3A_16 = arith.constant 10 : i32
    %scan3A_17 = arith.addi %scan3A_15, %scan3A_16 : i32
    %scan3A_18 = arith.constant 1 : i32
    scf.for %scan3A_25 = %scan3A_15 to %scan3A_17 step %scan3A_18  : i32 {
      %mul3A_26 = arith.constant 8 : i32
      %mul3A_27 = arith.muli %scan3A_25, %mul3A_26 : i32
      "tpu.region"() ({
        %run_scoped3A = tpu.sem_alloc : memref<!tpu.dma_semaphore, #tpu.memory_space<semaphore_mem>>
        %dma_start3A_248 = arith.constant 0 : i32
        %dma_start3A_249 = tpu.memref_slice %arg4[%add3A, %mul3A_27, %dma_start3A_248] : memref<32x80x125xi32, #tpu.memory_space<hbm>> -> memref<1x8x125xi32, #tpu.memory_space<hbm>>
        %dma_start3A_250 = tpu.memref_squeeze %dma_start3A_249 : memref<1x8x125xi32, #tpu.memory_space<hbm>> -> memref<8x125xi32, #tpu.memory_space<hbm>>
        %dma_start3A_251 = arith.constant 0 : i32
        %dma_start3A_252 = tpu.memref_slice %arg4[%add3A, %mul3A_27, %dma_start3A_251] : memref<32x80x125xi32, #tpu.memory_space<hbm>> -> memref<1x8x125xi32, #tpu.memory_space<hbm>>
        %dma_start3A_253 = tpu.memref_squeeze %dma_start3A_252 : memref<1x8x125xi32, #tpu.memory_space<hbm>> -> memref<8x125xi32, #tpu.memory_space<hbm>>
        tpu.enqueue_dma source(%dma_start3A_253 : memref<8x125xi32, #tpu.memory_space<hbm>>) target(%arg8 : memref<8x125xi32, #tpu.memory_space<vmem>>) target_semaphore(%run_scoped3A : memref<!tpu.dma_semaphore, #tpu.memory_space<semaphore_mem>>)
        %dma_wait3A_254 = arith.constant 0 : i32
        %dma_wait3A_255 = tpu.memref_slice %arg4[%add3A, %mul3A_27, %dma_wait3A_254] : memref<32x80x125xi32, #tpu.memory_space<hbm>> -> memref<1x8x125xi32, #tpu.memory_space<hbm>>
        %dma_wait3A_256 = tpu.memref_squeeze %dma_wait3A_255 : memref<1x8x125xi32, #tpu.memory_space<hbm>> -> memref<8x125xi32, #tpu.memory_space<hbm>>
        %dma_wait3A_257 = arith.constant 0 : i32
        %dma_wait3A_258 = tpu.memref_slice %arg4[%add3A, %mul3A_27, %dma_wait3A_257] : memref<32x80x125xi32, #tpu.memory_space<hbm>> -> memref<1x8x125xi32, #tpu.memory_space<hbm>>
        %dma_wait3A_259 = tpu.memref_squeeze %dma_wait3A_258 : memref<1x8x125xi32, #tpu.memory_space<hbm>> -> memref<8x125xi32, #tpu.memory_space<hbm>>
        tpu.wait_dma2 semaphore(%run_scoped3A : memref<!tpu.dma_semaphore, #tpu.memory_space<semaphore_mem>>) src(%dma_wait3A_259 : memref<8x125xi32, #tpu.memory_space<hbm>>) dst(%arg8 : memref<8x125xi32, #tpu.memory_space<vmem>>)
        tpu.yield
      }) : () -> ()
      %add3A_28 = arith.constant 0 : i32
      %add3A_29 = arith.addi %mul3A_27, %add3A_28 : i32
      %add3A_30 = arith.constant 1 : i32
      %add3A_31 = arith.addi %add3A_29, %add3A_30 : i32
      %dma_start3A_32 = arith.constant 0 : i32
      %dma_start3A_33 = arith.constant 0 : i32
      %dma_start3A_34 = tpu.memref_slice %arg8[%dma_start3A_32, %dma_start3A_33] : memref<8x125xi32, #tpu.memory_space<vmem>> -> memref<1x125xi32, #tpu.memory_space<vmem>>
      %dma_start3A_35 = tpu.memref_squeeze %dma_start3A_34 : memref<1x125xi32, #tpu.memory_space<vmem>> -> memref<125xi32, #tpu.memory_space<vmem>>
      %dma_start3A_36 = arith.constant 0 : i32
      %dma_start3A_37 = arith.constant 0 : i32
      %dma_start3A_38 = tpu.memref_slice %arg11[%dma_start3A_36, %dma_start3A_37] : memref<10240x128xf32, #tpu.memory_space<vmem_shared>> -> memref<10240x128xf32, #tpu.memory_space<vmem_shared>>
      tpu.enqueue_indirect_dma source(%arg9 : memref<125x128xf32, #tpu.memory_space<vmem>>) target(%dma_start3A_38 : memref<10240x128xf32, #tpu.memory_space<vmem_shared>>) offsets(%dma_start3A_35 : memref<125xi32, #tpu.memory_space<vmem>>) semaphore(%arg13 : memref<!tpu.dma_semaphore, #tpu.memory_space<semaphore_mem>>) {add = true}
      %dma_start3A_39 = arith.constant 0 : i32
      %dma_start3A_40 = tpu.memref_slice %arg7[%add3A_31, %dma_start3A_39] : memref<80x125xi32, #tpu.memory_space<vmem>> -> memref<1x125xi32, #tpu.memory_space<vmem>>
      %dma_start3A_41 = tpu.memref_squeeze %dma_start3A_40 : memref<1x125xi32, #tpu.memory_space<vmem>> -> memref<125xi32, #tpu.memory_space<vmem>>
      %dma_start3A_42 = arith.constant 0 : i32
      %dma_start3A_43 = arith.constant 0 : i32
      %dma_start3A_44 = tpu.memref_slice %arg2[%dma_start3A_42, %dma_start3A_43] : memref<10000x128xf32, #tpu.memory_space<hbm>> -> memref<10000x128xf32, #tpu.memory_space<hbm>>
      tpu.enqueue_indirect_dma source(%dma_start3A_44 : memref<10000x128xf32, #tpu.memory_space<hbm>>) target(%arg10 : memref<125x128xf32, #tpu.memory_space<vmem>>) offsets(%dma_start3A_41 : memref<125xi32, #tpu.memory_space<vmem>>) semaphore(%arg12 : memref<!tpu.dma_semaphore, #tpu.memory_space<semaphore_mem>>)
      %dma_wait3A_45 = arith.constant 0 : i32
      %dma_wait3A_46 = tpu.memref_slice %arg7[%add3A_31, %dma_wait3A_45] : memref<80x125xi32, #tpu.memory_space<vmem>> -> memref<1x125xi32, #tpu.memory_space<vmem>>
      %dma_wait3A_47 = tpu.memref_squeeze %dma_wait3A_46 : memref<1x125xi32, #tpu.memory_space<vmem>> -> memref<125xi32, #tpu.memory_space<vmem>>
      %dma_wait3A_48 = arith.constant 0 : i32
      %dma_wait3A_49 = arith.constant 0 : i32
      %dma_wait3A_50 = tpu.memref_slice %arg2[%dma_wait3A_48, %dma_wait3A_49] : memref<10000x128xf32, #tpu.memory_space<hbm>> -> memref<10000x128xf32, #tpu.memory_space<hbm>>
      tpu.wait_indirect_dma semaphore(%arg12 : memref<!tpu.dma_semaphore, #tpu.memory_space<semaphore_mem>>) src(%dma_wait3A_50 : memref<10000x128xf32, #tpu.memory_space<hbm>>) dst(%arg10 : memref<125x128xf32, #tpu.memory_space<vmem>>)
      %dma_start3A_51 = arith.constant 1 : i32
      %dma_start3A_52 = arith.constant 0 : i32
      %dma_start3A_53 = tpu.memref_slice %arg8[%dma_start3A_51, %dma_start3A_52] : memref<8x125xi32, #tpu.memory_space<vmem>> -> memref<1x125xi32, #tpu.memory_space<vmem>>
      %dma_start3A_54 = tpu.memref_squeeze %dma_start3A_53 : memref<1x125xi32, #tpu.memory_space<vmem>> -> memref<125xi32, #tpu.memory_space<vmem>>
      %dma_start3A_55 = arith.constant 0 : i32
      %dma_start3A_56 = arith.constant 0 : i32
      %dma_start3A_57 = tpu.memref_slice %arg11[%dma_start3A_55, %dma_start3A_56] : memref<10240x128xf32, #tpu.memory_space<vmem_shared>> -> memref<10240x128xf32, #tpu.memory_space<vmem_shared>>
      tpu.enqueue_indirect_dma source(%arg10 : memref<125x128xf32, #tpu.memory_space<vmem>>) target(%dma_start3A_57 : memref<10240x128xf32, #tpu.memory_space<vmem_shared>>) offsets(%dma_start3A_54 : memref<125xi32, #tpu.memory_space<vmem>>) semaphore(%arg14 : memref<!tpu.dma_semaphore, #tpu.memory_space<semaphore_mem>>) {add = true}
      %dma_wait3A_58 = arith.constant 0 : i32
      %dma_wait3A_59 = arith.constant 0 : i32
      %dma_wait3A_60 = tpu.memref_slice %arg8[%dma_wait3A_58, %dma_wait3A_59] : memref<8x125xi32, #tpu.memory_space<vmem>> -> memref<1x125xi32, #tpu.memory_space<vmem>>
      %dma_wait3A_61 = tpu.memref_squeeze %dma_wait3A_60 : memref<1x125xi32, #tpu.memory_space<vmem>> -> memref<125xi32, #tpu.memory_space<vmem>>
      %dma_wait3A_62 = arith.constant 0 : i32
      %dma_wait3A_63 = arith.constant 0 : i32
      %dma_wait3A_64 = tpu.memref_slice %arg11[%dma_wait3A_62, %dma_wait3A_63] : memref<10240x128xf32, #tpu.memory_space<vmem_shared>> -> memref<10240x128xf32, #tpu.memory_space<vmem_shared>>
      tpu.wait_indirect_dma semaphore(%arg13 : memref<!tpu.dma_semaphore, #tpu.memory_space<semaphore_mem>>) src(%arg9 : memref<125x128xf32, #tpu.memory_space<vmem>>) dst(%dma_wait3A_64 : memref<10240x128xf32, #tpu.memory_space<vmem_shared>>)
      %add3A_65 = arith.constant 1 : i32
      %add3A_66 = arith.addi %add3A_31, %add3A_65 : i32
      %dma_start3A_67 = arith.constant 0 : i32
      %dma_start3A_68 = tpu.memref_slice %arg7[%add3A_66, %dma_start3A_67] : memref<80x125xi32, #tpu.memory_space<vmem>> -> memref<1x125xi32, #tpu.memory_space<vmem>>
      %dma_start3A_69 = tpu.memref_squeeze %dma_start3A_68 : memref<1x125xi32, #tpu.memory_space<vmem>> -> memref<125xi32, #tpu.memory_space<vmem>>
      %dma_start3A_70 = arith.constant 0 : i32
      %dma_start3A_71 = arith.constant 0 : i32
      %dma_start3A_72 = tpu.memref_slice %arg2[%dma_start3A_70, %dma_start3A_71] : memref<10000x128xf32, #tpu.memory_space<hbm>> -> memref<10000x128xf32, #tpu.memory_space<hbm>>
      tpu.enqueue_indirect_dma source(%dma_start3A_72 : memref<10000x128xf32, #tpu.memory_space<hbm>>) target(%arg9 : memref<125x128xf32, #tpu.memory_space<vmem>>) offsets(%dma_start3A_69 : memref<125xi32, #tpu.memory_space<vmem>>) semaphore(%arg12 : memref<!tpu.dma_semaphore, #tpu.memory_space<semaphore_mem>>)
      %dma_wait3A_73 = arith.constant 0 : i32
      %dma_wait3A_74 = tpu.memref_slice %arg7[%add3A_66, %dma_wait3A_73] : memref<80x125xi32, #tpu.memory_space<vmem>> -> memref<1x125xi32, #tpu.memory_space<vmem>>
      %dma_wait3A_75 = tpu.memref_squeeze %dma_wait3A_74 : memref<1x125xi32, #tpu.memory_space<vmem>> -> memref<125xi32, #tpu.memory_space<vmem>>
      %dma_wait3A_76 = arith.constant 0 : i32
      %dma_wait3A_77 = arith.constant 0 : i32
      %dma_wait3A_78 = tpu.memref_slice %arg2[%dma_wait3A_76, %dma_wait3A_77] : memref<10000x128xf32, #tpu.memory_space<hbm>> -> memref<10000x128xf32, #tpu.memory_space<hbm>>
      tpu.wait_indirect_dma semaphore(%arg12 : memref<!tpu.dma_semaphore, #tpu.memory_space<semaphore_mem>>) src(%dma_wait3A_78 : memref<10000x128xf32, #tpu.memory_space<hbm>>) dst(%arg9 : memref<125x128xf32, #tpu.memory_space<vmem>>)
      %dma_wait3A_79 = arith.constant 1 : i32
      %dma_wait3A_80 = arith.constant 0 : i32
      %dma_wait3A_81 = tpu.memref_slice %arg8[%dma_wait3A_79, %dma_wait3A_80] : memref<8x125xi32, #tpu.memory_space<vmem>> -> memref<1x125xi32, #tpu.memory_space<vmem>>
      %dma_wait3A_82 = tpu.memref_squeeze %dma_wait3A_81 : memref<1x125xi32, #tpu.memory_space<vmem>> -> memref<125xi32, #tpu.memory_space<vmem>>
      %dma_wait3A_83 = arith.constant 0 : i32
      %dma_wait3A_84 = arith.constant 0 : i32
      %dma_wait3A_85 = tpu.memref_slice %arg11[%dma_wait3A_83, %dma_wait3A_84] : memref<10240x128xf32, #tpu.memory_space<vmem_shared>> -> memref<10240x128xf32, #tpu.memory_space<vmem_shared>>
      tpu.wait_indirect_dma semaphore(%arg14 : memref<!tpu.dma_semaphore, #tpu.memory_space<semaphore_mem>>) src(%arg10 : memref<125x128xf32, #tpu.memory_space<vmem>>) dst(%dma_wait3A_85 : memref<10240x128xf32, #tpu.memory_space<vmem_shared>>)
      %add3A_86 = arith.constant 2 : i32
      %add3A_87 = arith.addi %mul3A_27, %add3A_86 : i32
      %add3A_88 = arith.constant 1 : i32
      %add3A_89 = arith.addi %add3A_87, %add3A_88 : i32
      %dma_start3A_90 = arith.constant 2 : i32
      %dma_start3A_91 = arith.constant 0 : i32
      %dma_start3A_92 = tpu.memref_slice %arg8[%dma_start3A_90, %dma_start3A_91] : memref<8x125xi32, #tpu.memory_space<vmem>> -> memref<1x125xi32, #tpu.memory_space<vmem>>
      %dma_start3A_93 = tpu.memref_squeeze %dma_start3A_92 : memref<1x125xi32, #tpu.memory_space<vmem>> -> memref<125xi32, #tpu.memory_space<vmem>>
      %dma_start3A_94 = arith.constant 0 : i32
      %dma_start3A_95 = arith.constant 0 : i32
      %dma_start3A_96 = tpu.memref_slice %arg11[%dma_start3A_94, %dma_start3A_95] : memref<10240x128xf32, #tpu.memory_space<vmem_shared>> -> memref<10240x128xf32, #tpu.memory_space<vmem_shared>>
      tpu.enqueue_indirect_dma source(%arg9 : memref<125x128xf32, #tpu.memory_space<vmem>>) target(%dma_start3A_96 : memref<10240x128xf32, #tpu.memory_space<vmem_shared>>) offsets(%dma_start3A_93 : memref<125xi32, #tpu.memory_space<vmem>>) semaphore(%arg13 : memref<!tpu.dma_semaphore, #tpu.memory_space<semaphore_mem>>) {add = true}
      %dma_start3A_97 = arith.constant 0 : i32
      %dma_start3A_98 = tpu.memref_slice %arg7[%add3A_89, %dma_start3A_97] : memref<80x125xi32, #tpu.memory_space<vmem>> -> memref<1x125xi32, #tpu.memory_space<vmem>>
      %dma_start3A_99 = tpu.memref_squeeze %dma_start3A_98 : memref<1x125xi32, #tpu.memory_space<vmem>> -> memref<125xi32, #tpu.memory_space<vmem>>
      %dma_start3A_100 = arith.constant 0 : i32
      %dma_start3A_101 = arith.constant 0 : i32
      %dma_start3A_102 = tpu.memref_slice %arg2[%dma_start3A_100, %dma_start3A_101] : memref<10000x128xf32, #tpu.memory_space<hbm>> -> memref<10000x128xf32, #tpu.memory_space<hbm>>
      tpu.enqueue_indirect_dma source(%dma_start3A_102 : memref<10000x128xf32, #tpu.memory_space<hbm>>) target(%arg10 : memref<125x128xf32, #tpu.memory_space<vmem>>) offsets(%dma_start3A_99 : memref<125xi32, #tpu.memory_space<vmem>>) semaphore(%arg12 : memref<!tpu.dma_semaphore, #tpu.memory_space<semaphore_mem>>)
      %dma_wait3A_103 = arith.constant 0 : i32
      %dma_wait3A_104 = tpu.memref_slice %arg7[%add3A_89, %dma_wait3A_103] : memref<80x125xi32, #tpu.memory_space<vmem>> -> memref<1x125xi32, #tpu.memory_space<vmem>>
      %dma_wait3A_105 = tpu.memref_squeeze %dma_wait3A_104 : memref<1x125xi32, #tpu.memory_space<vmem>> -> memref<125xi32, #tpu.memory_space<vmem>>
      %dma_wait3A_106 = arith.constant 0 : i32
      %dma_wait3A_107 = arith.constant 0 : i32
      %dma_wait3A_108 = tpu.memref_slice %arg2[%dma_wait3A_106, %dma_wait3A_107] : memref<10000x128xf32, #tpu.memory_space<hbm>> -> memref<10000x128xf32, #tpu.memory_space<hbm>>
      tpu.wait_indirect_dma semaphore(%arg12 : memref<!tpu.dma_semaphore, #tpu.memory_space<semaphore_mem>>) src(%dma_wait3A_108 : memref<10000x128xf32, #tpu.memory_space<hbm>>) dst(%arg10 : memref<125x128xf32, #tpu.memory_space<vmem>>)
      %dma_start3A_109 = arith.constant 3 : i32
      %dma_start3A_110 = arith.constant 0 : i32
      %dma_start3A_111 = tpu.memref_slice %arg8[%dma_start3A_109, %dma_start3A_110] : memref<8x125xi32, #tpu.memory_space<vmem>> -> memref<1x125xi32, #tpu.memory_space<vmem>>
      %dma_start3A_112 = tpu.memref_squeeze %dma_start3A_111 : memref<1x125xi32, #tpu.memory_space<vmem>> -> memref<125xi32, #tpu.memory_space<vmem>>
      %dma_start3A_113 = arith.constant 0 : i32
      %dma_start3A_114 = arith.constant 0 : i32
      %dma_start3A_115 = tpu.memref_slice %arg11[%dma_start3A_113, %dma_start3A_114] : memref<10240x128xf32, #tpu.memory_space<vmem_shared>> -> memref<10240x128xf32, #tpu.memory_space<vmem_shared>>
      tpu.enqueue_indirect_dma source(%arg10 : memref<125x128xf32, #tpu.memory_space<vmem>>) target(%dma_start3A_115 : memref<10240x128xf32, #tpu.memory_space<vmem_shared>>) offsets(%dma_start3A_112 : memref<125xi32, #tpu.memory_space<vmem>>) semaphore(%arg14 : memref<!tpu.dma_semaphore, #tpu.memory_space<semaphore_mem>>) {add = true}
      %dma_wait3A_116 = arith.constant 2 : i32
      %dma_wait3A_117 = arith.constant 0 : i32
      %dma_wait3A_118 = tpu.memref_slice %arg8[%dma_wait3A_116, %dma_wait3A_117] : memref<8x125xi32, #tpu.memory_space<vmem>> -> memref<1x125xi32, #tpu.memory_space<vmem>>
      %dma_wait3A_119 = tpu.memref_squeeze %dma_wait3A_118 : memref<1x125xi32, #tpu.memory_space<vmem>> -> memref<125xi32, #tpu.memory_space<vmem>>
      %dma_wait3A_120 = arith.constant 0 : i32
      %dma_wait3A_121 = arith.constant 0 : i32
      %dma_wait3A_122 = tpu.memref_slice %arg11[%dma_wait3A_120, %dma_wait3A_121] : memref<10240x128xf32, #tpu.memory_space<vmem_shared>> -> memref<10240x128xf32, #tpu.memory_space<vmem_shared>>
      tpu.wait_indirect_dma semaphore(%arg13 : memref<!tpu.dma_semaphore, #tpu.memory_space<semaphore_mem>>) src(%arg9 : memref<125x128xf32, #tpu.memory_space<vmem>>) dst(%dma_wait3A_122 : memref<10240x128xf32, #tpu.memory_space<vmem_shared>>)
      %add3A_123 = arith.constant 1 : i32
      %add3A_124 = arith.addi %add3A_89, %add3A_123 : i32
      %dma_start3A_125 = arith.constant 0 : i32
      %dma_start3A_126 = tpu.memref_slice %arg7[%add3A_124, %dma_start3A_125] : memref<80x125xi32, #tpu.memory_space<vmem>> -> memref<1x125xi32, #tpu.memory_space<vmem>>
      %dma_start3A_127 = tpu.memref_squeeze %dma_start3A_126 : memref<1x125xi32, #tpu.memory_space<vmem>> -> memref<125xi32, #tpu.memory_space<vmem>>
      %dma_start3A_128 = arith.constant 0 : i32
      %dma_start3A_129 = arith.constant 0 : i32
      %dma_start3A_130 = tpu.memref_slice %arg2[%dma_start3A_128, %dma_start3A_129] : memref<10000x128xf32, #tpu.memory_space<hbm>> -> memref<10000x128xf32, #tpu.memory_space<hbm>>
      tpu.enqueue_indirect_dma source(%dma_start3A_130 : memref<10000x128xf32, #tpu.memory_space<hbm>>) target(%arg9 : memref<125x128xf32, #tpu.memory_space<vmem>>) offsets(%dma_start3A_127 : memref<125xi32, #tpu.memory_space<vmem>>) semaphore(%arg12 : memref<!tpu.dma_semaphore, #tpu.memory_space<semaphore_mem>>)
      %dma_wait3A_131 = arith.constant 0 : i32
      %dma_wait3A_132 = tpu.memref_slice %arg7[%add3A_124, %dma_wait3A_131] : memref<80x125xi32, #tpu.memory_space<vmem>> -> memref<1x125xi32, #tpu.memory_space<vmem>>
      %dma_wait3A_133 = tpu.memref_squeeze %dma_wait3A_132 : memref<1x125xi32, #tpu.memory_space<vmem>> -> memref<125xi32, #tpu.memory_space<vmem>>
      %dma_wait3A_134 = arith.constant 0 : i32
      %dma_wait3A_135 = arith.constant 0 : i32
      %dma_wait3A_136 = tpu.memref_slice %arg2[%dma_wait3A_134, %dma_wait3A_135] : memref<10000x128xf32, #tpu.memory_space<hbm>> -> memref<10000x128xf32, #tpu.memory_space<hbm>>
      tpu.wait_indirect_dma semaphore(%arg12 : memref<!tpu.dma_semaphore, #tpu.memory_space<semaphore_mem>>) src(%dma_wait3A_136 : memref<10000x128xf32, #tpu.memory_space<hbm>>) dst(%arg9 : memref<125x128xf32, #tpu.memory_space<vmem>>)
      %dma_wait3A_137 = arith.constant 3 : i32
      %dma_wait3A_138 = arith.constant 0 : i32
      %dma_wait3A_139 = tpu.memref_slice %arg8[%dma_wait3A_137, %dma_wait3A_138] : memref<8x125xi32, #tpu.memory_space<vmem>> -> memref<1x125xi32, #tpu.memory_space<vmem>>
      %dma_wait3A_140 = tpu.memref_squeeze %dma_wait3A_139 : memref<1x125xi32, #tpu.memory_space<vmem>> -> memref<125xi32, #tpu.memory_space<vmem>>
      %dma_wait3A_141 = arith.constant 0 : i32
      %dma_wait3A_142 = arith.constant 0 : i32
      %dma_wait3A_143 = tpu.memref_slice %arg11[%dma_wait3A_141, %dma_wait3A_142] : memref<10240x128xf32, #tpu.memory_space<vmem_shared>> -> memref<10240x128xf32, #tpu.memory_space<vmem_shared>>
      tpu.wait_indirect_dma semaphore(%arg14 : memref<!tpu.dma_semaphore, #tpu.memory_space<semaphore_mem>>) src(%arg10 : memref<125x128xf32, #tpu.memory_space<vmem>>) dst(%dma_wait3A_143 : memref<10240x128xf32, #tpu.memory_space<vmem_shared>>)
      %add3A_144 = arith.constant 4 : i32
      %add3A_145 = arith.addi %mul3A_27, %add3A_144 : i32
      %add3A_146 = arith.constant 1 : i32
      %add3A_147 = arith.addi %add3A_145, %add3A_146 : i32
      %dma_start3A_148 = arith.constant 4 : i32
      %dma_start3A_149 = arith.constant 0 : i32
      %dma_start3A_150 = tpu.memref_slice %arg8[%dma_start3A_148, %dma_start3A_149] : memref<8x125xi32, #tpu.memory_space<vmem>> -> memref<1x125xi32, #tpu.memory_space<vmem>>
      %dma_start3A_151 = tpu.memref_squeeze %dma_start3A_150 : memref<1x125xi32, #tpu.memory_space<vmem>> -> memref<125xi32, #tpu.memory_space<vmem>>
      %dma_start3A_152 = arith.constant 0 : i32
      %dma_start3A_153 = arith.constant 0 : i32
      %dma_start3A_154 = tpu.memref_slice %arg11[%dma_start3A_152, %dma_start3A_153] : memref<10240x128xf32, #tpu.memory_space<vmem_shared>> -> memref<10240x128xf32, #tpu.memory_space<vmem_shared>>
      tpu.enqueue_indirect_dma source(%arg9 : memref<125x128xf32, #tpu.memory_space<vmem>>) target(%dma_start3A_154 : memref<10240x128xf32, #tpu.memory_space<vmem_shared>>) offsets(%dma_start3A_151 : memref<125xi32, #tpu.memory_space<vmem>>) semaphore(%arg13 : memref<!tpu.dma_semaphore, #tpu.memory_space<semaphore_mem>>) {add = true}
      %dma_start3A_155 = arith.constant 0 : i32
      %dma_start3A_156 = tpu.memref_slice %arg7[%add3A_147, %dma_start3A_155] : memref<80x125xi32, #tpu.memory_space<vmem>> -> memref<1x125xi32, #tpu.memory_space<vmem>>
      %dma_start3A_157 = tpu.memref_squeeze %dma_start3A_156 : memref<1x125xi32, #tpu.memory_space<vmem>> -> memref<125xi32, #tpu.memory_space<vmem>>
      %dma_start3A_158 = arith.constant 0 : i32
      %dma_start3A_159 = arith.constant 0 : i32
      %dma_start3A_160 = tpu.memref_slice %arg2[%dma_start3A_158, %dma_start3A_159] : memref<10000x128xf32, #tpu.memory_space<hbm>> -> memref<10000x128xf32, #tpu.memory_space<hbm>>
      tpu.enqueue_indirect_dma source(%dma_start3A_160 : memref<10000x128xf32, #tpu.memory_space<hbm>>) target(%arg10 : memref<125x128xf32, #tpu.memory_space<vmem>>) offsets(%dma_start3A_157 : memref<125xi32, #tpu.memory_space<vmem>>) semaphore(%arg12 : memref<!tpu.dma_semaphore, #tpu.memory_space<semaphore_mem>>)
      %dma_wait3A_161 = arith.constant 0 : i32
      %dma_wait3A_162 = tpu.memref_slice %arg7[%add3A_147, %dma_wait3A_161] : memref<80x125xi32, #tpu.memory_space<vmem>> -> memref<1x125xi32, #tpu.memory_space<vmem>>
      %dma_wait3A_163 = tpu.memref_squeeze %dma_wait3A_162 : memref<1x125xi32, #tpu.memory_space<vmem>> -> memref<125xi32, #tpu.memory_space<vmem>>
      %dma_wait3A_164 = arith.constant 0 : i32
      %dma_wait3A_165 = arith.constant 0 : i32
      %dma_wait3A_166 = tpu.memref_slice %arg2[%dma_wait3A_164, %dma_wait3A_165] : memref<10000x128xf32, #tpu.memory_space<hbm>> -> memref<10000x128xf32, #tpu.memory_space<hbm>>
      tpu.wait_indirect_dma semaphore(%arg12 : memref<!tpu.dma_semaphore, #tpu.memory_space<semaphore_mem>>) src(%dma_wait3A_166 : memref<10000x128xf32, #tpu.memory_space<hbm>>) dst(%arg10 : memref<125x128xf32, #tpu.memory_space<vmem>>)
      %dma_start3A_167 = arith.constant 5 : i32
      %dma_start3A_168 = arith.constant 0 : i32
      %dma_start3A_169 = tpu.memref_slice %arg8[%dma_start3A_167, %dma_start3A_168] : memref<8x125xi32, #tpu.memory_space<vmem>> -> memref<1x125xi32, #tpu.memory_space<vmem>>
      %dma_start3A_170 = tpu.memref_squeeze %dma_start3A_169 : memref<1x125xi32, #tpu.memory_space<vmem>> -> memref<125xi32, #tpu.memory_space<vmem>>
      %dma_start3A_171 = arith.constant 0 : i32
      %dma_start3A_172 = arith.constant 0 : i32
      %dma_start3A_173 = tpu.memref_slice %arg11[%dma_start3A_171, %dma_start3A_172] : memref<10240x128xf32, #tpu.memory_space<vmem_shared>> -> memref<10240x128xf32, #tpu.memory_space<vmem_shared>>
      tpu.enqueue_indirect_dma source(%arg10 : memref<125x128xf32, #tpu.memory_space<vmem>>) target(%dma_start3A_173 : memref<10240x128xf32, #tpu.memory_space<vmem_shared>>) offsets(%dma_start3A_170 : memref<125xi32, #tpu.memory_space<vmem>>) semaphore(%arg14 : memref<!tpu.dma_semaphore, #tpu.memory_space<semaphore_mem>>) {add = true}
      %dma_wait3A_174 = arith.constant 4 : i32
      %dma_wait3A_175 = arith.constant 0 : i32
      %dma_wait3A_176 = tpu.memref_slice %arg8[%dma_wait3A_174, %dma_wait3A_175] : memref<8x125xi32, #tpu.memory_space<vmem>> -> memref<1x125xi32, #tpu.memory_space<vmem>>
      %dma_wait3A_177 = tpu.memref_squeeze %dma_wait3A_176 : memref<1x125xi32, #tpu.memory_space<vmem>> -> memref<125xi32, #tpu.memory_space<vmem>>
      %dma_wait3A_178 = arith.constant 0 : i32
      %dma_wait3A_179 = arith.constant 0 : i32
      %dma_wait3A_180 = tpu.memref_slice %arg11[%dma_wait3A_178, %dma_wait3A_179] : memref<10240x128xf32, #tpu.memory_space<vmem_shared>> -> memref<10240x128xf32, #tpu.memory_space<vmem_shared>>
      tpu.wait_indirect_dma semaphore(%arg13 : memref<!tpu.dma_semaphore, #tpu.memory_space<semaphore_mem>>) src(%arg9 : memref<125x128xf32, #tpu.memory_space<vmem>>) dst(%dma_wait3A_180 : memref<10240x128xf32, #tpu.memory_space<vmem_shared>>)
      %add3A_181 = arith.constant 1 : i32
      %add3A_182 = arith.addi %add3A_147, %add3A_181 : i32
      %dma_start3A_183 = arith.constant 0 : i32
      %dma_start3A_184 = tpu.memref_slice %arg7[%add3A_182, %dma_start3A_183] : memref<80x125xi32, #tpu.memory_space<vmem>> -> memref<1x125xi32, #tpu.memory_space<vmem>>
      %dma_start3A_185 = tpu.memref_squeeze %dma_start3A_184 : memref<1x125xi32, #tpu.memory_space<vmem>> -> memref<125xi32, #tpu.memory_space<vmem>>
      %dma_start3A_186 = arith.constant 0 : i32
      %dma_start3A_187 = arith.constant 0 : i32
      %dma_start3A_188 = tpu.memref_slice %arg2[%dma_start3A_186, %dma_start3A_187] : memref<10000x128xf32, #tpu.memory_space<hbm>> -> memref<10000x128xf32, #tpu.memory_space<hbm>>
      tpu.enqueue_indirect_dma source(%dma_start3A_188 : memref<10000x128xf32, #tpu.memory_space<hbm>>) target(%arg9 : memref<125x128xf32, #tpu.memory_space<vmem>>) offsets(%dma_start3A_185 : memref<125xi32, #tpu.memory_space<vmem>>) semaphore(%arg12 : memref<!tpu.dma_semaphore, #tpu.memory_space<semaphore_mem>>)
      %dma_wait3A_189 = arith.constant 0 : i32
      %dma_wait3A_190 = tpu.memref_slice %arg7[%add3A_182, %dma_wait3A_189] : memref<80x125xi32, #tpu.memory_space<vmem>> -> memref<1x125xi32, #tpu.memory_space<vmem>>
      %dma_wait3A_191 = tpu.memref_squeeze %dma_wait3A_190 : memref<1x125xi32, #tpu.memory_space<vmem>> -> memref<125xi32, #tpu.memory_space<vmem>>
      %dma_wait3A_192 = arith.constant 0 : i32
      %dma_wait3A_193 = arith.constant 0 : i32
      %dma_wait3A_194 = tpu.memref_slice %arg2[%dma_wait3A_192, %dma_wait3A_193] : memref<10000x128xf32, #tpu.memory_space<hbm>> -> memref<10000x128xf32, #tpu.memory_space<hbm>>
      tpu.wait_indirect_dma semaphore(%arg12 : memref<!tpu.dma_semaphore, #tpu.memory_space<semaphore_mem>>) src(%dma_wait3A_194 : memref<10000x128xf32, #tpu.memory_space<hbm>>) dst(%arg9 : memref<125x128xf32, #tpu.memory_space<vmem>>)
      %dma_wait3A_195 = arith.constant 5 : i32
      %dma_wait3A_196 = arith.constant 0 : i32
      %dma_wait3A_197 = tpu.memref_slice %arg8[%dma_wait3A_195, %dma_wait3A_196] : memref<8x125xi32, #tpu.memory_space<vmem>> -> memref<1x125xi32, #tpu.memory_space<vmem>>
      %dma_wait3A_198 = tpu.memref_squeeze %dma_wait3A_197 : memref<1x125xi32, #tpu.memory_space<vmem>> -> memref<125xi32, #tpu.memory_space<vmem>>
      %dma_wait3A_199 = arith.constant 0 : i32
      %dma_wait3A_200 = arith.constant 0 : i32
      %dma_wait3A_201 = tpu.memref_slice %arg11[%dma_wait3A_199, %dma_wait3A_200] : memref<10240x128xf32, #tpu.memory_space<vmem_shared>> -> memref<10240x128xf32, #tpu.memory_space<vmem_shared>>
      tpu.wait_indirect_dma semaphore(%arg14 : memref<!tpu.dma_semaphore, #tpu.memory_space<semaphore_mem>>) src(%arg10 : memref<125x128xf32, #tpu.memory_space<vmem>>) dst(%dma_wait3A_201 : memref<10240x128xf32, #tpu.memory_space<vmem_shared>>)
      %add3A_202 = arith.constant 6 : i32
      %add3A_203 = arith.addi %mul3A_27, %add3A_202 : i32
      %add3A_204 = arith.constant 1 : i32
      %add3A_205 = arith.addi %add3A_203, %add3A_204 : i32
      %dma_start3A_206 = arith.constant 6 : i32
      %dma_start3A_207 = arith.constant 0 : i32
      %dma_start3A_208 = tpu.memref_slice %arg8[%dma_start3A_206, %dma_start3A_207] : memref<8x125xi32, #tpu.memory_space<vmem>> -> memref<1x125xi32, #tpu.memory_space<vmem>>
      %dma_start3A_209 = tpu.memref_squeeze %dma_start3A_208 : memref<1x125xi32, #tpu.memory_space<vmem>> -> memref<125xi32, #tpu.memory_space<vmem>>
      %dma_start3A_210 = arith.constant 0 : i32
      %dma_start3A_211 = arith.constant 0 : i32
      %dma_start3A_212 = tpu.memref_slice %arg11[%dma_start3A_210, %dma_start3A_211] : memref<10240x128xf32, #tpu.memory_space<vmem_shared>> -> memref<10240x128xf32, #tpu.memory_space<vmem_shared>>
      tpu.enqueue_indirect_dma source(%arg9 : memref<125x128xf32, #tpu.memory_space<vmem>>) target(%dma_start3A_212 : memref<10240x128xf32, #tpu.memory_space<vmem_shared>>) offsets(%dma_start3A_209 : memref<125xi32, #tpu.memory_space<vmem>>) semaphore(%arg13 : memref<!tpu.dma_semaphore, #tpu.memory_space<semaphore_mem>>) {add = true}
      %dma_start3A_213 = arith.constant 0 : i32
      %dma_start3A_214 = tpu.memref_slice %arg7[%add3A_205, %dma_start3A_213] : memref<80x125xi32, #tpu.memory_space<vmem>> -> memref<1x125xi32, #tpu.memory_space<vmem>>
      %dma_start3A_215 = tpu.memref_squeeze %dma_start3A_214 : memref<1x125xi32, #tpu.memory_space<vmem>> -> memref<125xi32, #tpu.memory_space<vmem>>
      %dma_start3A_216 = arith.constant 0 : i32
      %dma_start3A_217 = arith.constant 0 : i32
      %dma_start3A_218 = tpu.memref_slice %arg2[%dma_start3A_216, %dma_start3A_217] : memref<10000x128xf32, #tpu.memory_space<hbm>> -> memref<10000x128xf32, #tpu.memory_space<hbm>>
      tpu.enqueue_indirect_dma source(%dma_start3A_218 : memref<10000x128xf32, #tpu.memory_space<hbm>>) target(%arg10 : memref<125x128xf32, #tpu.memory_space<vmem>>) offsets(%dma_start3A_215 : memref<125xi32, #tpu.memory_space<vmem>>) semaphore(%arg12 : memref<!tpu.dma_semaphore, #tpu.memory_space<semaphore_mem>>)
      %dma_wait3A_219 = arith.constant 0 : i32
      %dma_wait3A_220 = tpu.memref_slice %arg7[%add3A_205, %dma_wait3A_219] : memref<80x125xi32, #tpu.memory_space<vmem>> -> memref<1x125xi32, #tpu.memory_space<vmem>>
      %dma_wait3A_221 = tpu.memref_squeeze %dma_wait3A_220 : memref<1x125xi32, #tpu.memory_space<vmem>> -> memref<125xi32, #tpu.memory_space<vmem>>
      %dma_wait3A_222 = arith.constant 0 : i32
      %dma_wait3A_223 = arith.constant 0 : i32
      %dma_wait3A_224 = tpu.memref_slice %arg2[%dma_wait3A_222, %dma_wait3A_223] : memref<10000x128xf32, #tpu.memory_space<hbm>> -> memref<10000x128xf32, #tpu.memory_space<hbm>>
      tpu.wait_indirect_dma semaphore(%arg12 : memref<!tpu.dma_semaphore, #tpu.memory_space<semaphore_mem>>) src(%dma_wait3A_224 : memref<10000x128xf32, #tpu.memory_space<hbm>>) dst(%arg10 : memref<125x128xf32, #tpu.memory_space<vmem>>)
      %dma_start3A_225 = arith.constant 7 : i32
      %dma_start3A_226 = arith.constant 0 : i32
      %dma_start3A_227 = tpu.memref_slice %arg8[%dma_start3A_225, %dma_start3A_226] : memref<8x125xi32, #tpu.memory_space<vmem>> -> memref<1x125xi32, #tpu.memory_space<vmem>>
      %dma_start3A_228 = tpu.memref_squeeze %dma_start3A_227 : memref<1x125xi32, #tpu.memory_space<vmem>> -> memref<125xi32, #tpu.memory_space<vmem>>
      %dma_start3A_229 = arith.constant 0 : i32
      %dma_start3A_230 = arith.constant 0 : i32
      %dma_start3A_231 = tpu.memref_slice %arg11[%dma_start3A_229, %dma_start3A_230] : memref<10240x128xf32, #tpu.memory_space<vmem_shared>> -> memref<10240x128xf32, #tpu.memory_space<vmem_shared>>
      tpu.enqueue_indirect_dma source(%arg10 : memref<125x128xf32, #tpu.memory_space<vmem>>) target(%dma_start3A_231 : memref<10240x128xf32, #tpu.memory_space<vmem_shared>>) offsets(%dma_start3A_228 : memref<125xi32, #tpu.memory_space<vmem>>) semaphore(%arg14 : memref<!tpu.dma_semaphore, #tpu.memory_space<semaphore_mem>>) {add = true}
      %dma_wait3A_232 = arith.constant 6 : i32
      %dma_wait3A_233 = arith.constant 0 : i32
      %dma_wait3A_234 = tpu.memref_slice %arg8[%dma_wait3A_232, %dma_wait3A_233] : memref<8x125xi32, #tpu.memory_space<vmem>> -> memref<1x125xi32, #tpu.memory_space<vmem>>
      %dma_wait3A_235 = tpu.memref_squeeze %dma_wait3A_234 : memref<1x125xi32, #tpu.memory_space<vmem>> -> memref<125xi32, #tpu.memory_space<vmem>>
      %dma_wait3A_236 = arith.constant 0 : i32
      %dma_wait3A_237 = arith.constant 0 : i32
      %dma_wait3A_238 = tpu.memref_slice %arg11[%dma_wait3A_236, %dma_wait3A_237] : memref<10240x128xf32, #tpu.memory_space<vmem_shared>> -> memref<10240x128xf32, #tpu.memory_space<vmem_shared>>
      tpu.wait_indirect_dma semaphore(%arg13 : memref<!tpu.dma_semaphore, #tpu.memory_space<semaphore_mem>>) src(%arg9 : memref<125x128xf32, #tpu.memory_space<vmem>>) dst(%dma_wait3A_238 : memref<10240x128xf32, #tpu.memory_space<vmem_shared>>)
      %lt3A = arith.constant 9 : i32
      %lt3A_239 = arith.cmpi slt, %scan3A_25, %lt3A : i32
      %convert_element_type3A = arith.extui %lt3A_239 : i1 to i32
      %cond3A = arith.constant 0 : i32
      %cond3A_240 = arith.cmpi ne, %convert_element_type3A, %cond3A : i32
      scf.if %cond3A_240 {
        %add3A_248 = arith.constant 1 : i32
        %add3A_249 = arith.addi %add3A_205, %add3A_248 : i32
        %dma_start3A_250 = arith.constant 0 : i32
        %dma_start3A_251 = tpu.memref_slice %arg7[%add3A_249, %dma_start3A_250] : memref<80x125xi32, #tpu.memory_space<vmem>> -> memref<1x125xi32, #tpu.memory_space<vmem>>
        %dma_start3A_252 = tpu.memref_squeeze %dma_start3A_251 : memref<1x125xi32, #tpu.memory_space<vmem>> -> memref<125xi32, #tpu.memory_space<vmem>>
        %dma_start3A_253 = arith.constant 0 : i32
        %dma_start3A_254 = arith.constant 0 : i32
        %dma_start3A_255 = tpu.memref_slice %arg2[%dma_start3A_253, %dma_start3A_254] : memref<10000x128xf32, #tpu.memory_space<hbm>> -> memref<10000x128xf32, #tpu.memory_space<hbm>>
        tpu.enqueue_indirect_dma source(%dma_start3A_255 : memref<10000x128xf32, #tpu.memory_space<hbm>>) target(%arg9 : memref<125x128xf32, #tpu.memory_space<vmem>>) offsets(%dma_start3A_252 : memref<125xi32, #tpu.memory_space<vmem>>) semaphore(%arg12 : memref<!tpu.dma_semaphore, #tpu.memory_space<semaphore_mem>>)
        %dma_wait3A_256 = arith.constant 0 : i32
        %dma_wait3A_257 = tpu.memref_slice %arg7[%add3A_249, %dma_wait3A_256] : memref<80x125xi32, #tpu.memory_space<vmem>> -> memref<1x125xi32, #tpu.memory_space<vmem>>
        %dma_wait3A_258 = tpu.memref_squeeze %dma_wait3A_257 : memref<1x125xi32, #tpu.memory_space<vmem>> -> memref<125xi32, #tpu.memory_space<vmem>>
        %dma_wait3A_259 = arith.constant 0 : i32
        %dma_wait3A_260 = arith.constant 0 : i32
        %dma_wait3A_261 = tpu.memref_slice %arg2[%dma_wait3A_259, %dma_wait3A_260] : memref<10000x128xf32, #tpu.memory_space<hbm>> -> memref<10000x128xf32, #tpu.memory_space<hbm>>
        tpu.wait_indirect_dma semaphore(%arg12 : memref<!tpu.dma_semaphore, #tpu.memory_space<semaphore_mem>>) src(%dma_wait3A_261 : memref<10000x128xf32, #tpu.memory_space<hbm>>) dst(%arg9 : memref<125x128xf32, #tpu.memory_space<vmem>>)
      } else {
      }
      %dma_wait3A_241 = arith.constant 7 : i32
      %dma_wait3A_242 = arith.constant 0 : i32
      %dma_wait3A_243 = tpu.memref_slice %arg8[%dma_wait3A_241, %dma_wait3A_242] : memref<8x125xi32, #tpu.memory_space<vmem>> -> memref<1x125xi32, #tpu.memory_space<vmem>>
      %dma_wait3A_244 = tpu.memref_squeeze %dma_wait3A_243 : memref<1x125xi32, #tpu.memory_space<vmem>> -> memref<125xi32, #tpu.memory_space<vmem>>
      %dma_wait3A_245 = arith.constant 0 : i32
      %dma_wait3A_246 = arith.constant 0 : i32
      %dma_wait3A_247 = tpu.memref_slice %arg11[%dma_wait3A_245, %dma_wait3A_246] : memref<10240x128xf32, #tpu.memory_space<vmem_shared>> -> memref<10240x128xf32, #tpu.memory_space<vmem_shared>>
      tpu.wait_indirect_dma semaphore(%arg14 : memref<!tpu.dma_semaphore, #tpu.memory_space<semaphore_mem>>) src(%arg10 : memref<125x128xf32, #tpu.memory_space<vmem>>) dst(%dma_wait3A_247 : memref<10240x128xf32, #tpu.memory_space<vmem_shared>>)
    }
    %scan3A_19 = arith.constant 10 : i32
    %barrier3A_20 = arith.constant 0 : index
    tpu.barrier barrier_id(%barrier3A_20)
    %mul3A_21 = arith.constant 640 : i32
    %mul3A_22 = arith.muli %arg1, %mul3A_21 : i32
    %mul3A_23 = arith.constant 640 : i32
    %mul3A_24 = arith.muli %arg1, %mul3A_23 : i32
    "tpu.region"() ({
      %run_scoped3A = tpu.sem_alloc : memref<!tpu.dma_semaphore, #tpu.memory_space<semaphore_mem>>
      %dma_start3A_25 = arith.constant 0 : i32
      %dma_start3A_26 = tpu.memref_slice %arg6[%arg0, %mul3A_24, %dma_start3A_25] : memref<2x10240x128xf32, #tpu.memory_space<hbm>> -> memref<1x640x128xf32, #tpu.memory_space<hbm>>
      %dma_start3A_27 = tpu.memref_squeeze %dma_start3A_26 : memref<1x640x128xf32, #tpu.memory_space<hbm>> -> memref<640x128xf32, #tpu.memory_space<hbm>>
      %dma_start3A_28 = arith.constant 0 : i32
      %dma_start3A_29 = tpu.memref_slice %arg11[%mul3A_22, %dma_start3A_28] : memref<10240x128xf32, #tpu.memory_space<vmem_shared>> -> memref<640x128xf32, #tpu.memory_space<vmem_shared>>
      tpu.enqueue_dma source(%dma_start3A_29 : memref<640x128xf32, #tpu.memory_space<vmem_shared>>) target(%dma_start3A_27 : memref<640x128xf32, #tpu.memory_space<hbm>>) target_semaphore(%run_scoped3A : memref<!tpu.dma_semaphore, #tpu.memory_space<semaphore_mem>>)
      %dma_wait3A_30 = arith.constant 0 : i32
      %dma_wait3A_31 = tpu.memref_slice %arg6[%arg0, %mul3A_24, %dma_wait3A_30] : memref<2x10240x128xf32, #tpu.memory_space<hbm>> -> memref<1x640x128xf32, #tpu.memory_space<hbm>>
      %dma_wait3A_32 = tpu.memref_squeeze %dma_wait3A_31 : memref<1x640x128xf32, #tpu.memory_space<hbm>> -> memref<640x128xf32, #tpu.memory_space<hbm>>
      %dma_wait3A_33 = arith.constant 0 : i32
      %dma_wait3A_34 = tpu.memref_slice %arg11[%mul3A_22, %dma_wait3A_33] : memref<10240x128xf32, #tpu.memory_space<vmem_shared>> -> memref<640x128xf32, #tpu.memory_space<vmem_shared>>
      tpu.wait_dma2 semaphore(%run_scoped3A : memref<!tpu.dma_semaphore, #tpu.memory_space<semaphore_mem>>) src(%dma_wait3A_34 : memref<640x128xf32, #tpu.memory_space<vmem_shared>>) dst(%dma_wait3A_32 : memref<640x128xf32, #tpu.memory_space<hbm>>)
      tpu.yield
    }) : () -> ()
    return
  }
}

#map = affine_map<(d0, d1) -> (0, 0, 0)>
#map1 = affine_map<(d0, d1) -> (0, 0)>
module attributes {stable_mosaic.version = 14 : i64} {
  func.func @_sc_degree(%arg0: i32, %arg1: i32, %arg2: memref<32x80x125xi32, #tpu.memory_space<hbm>>, %arg3: memref<125x128xf32, #tpu.memory_space<hbm>>, %arg4: memref<640x128xf32, #tpu.memory_space<hbm>>, %arg5: memref<2x10240x128xf32, #tpu.memory_space<hbm>>, %arg6: memref<80x125xi32, #tpu.memory_space<vmem>>, %arg7: memref<125x128xf32, #tpu.memory_space<vmem>>, %arg8: memref<10240x128xf32, #tpu.memory_space<vmem_shared>>) attributes {dimension_semantics = [#tpu.dimension_semantics<core_parallel>, #tpu.dimension_semantics<subcore_parallel>], iteration_bounds = array<i64: 2, 16>, scalar_prefetch = 0 : i64, scratch_operands = 3 : i64, tpu.core_type = #tpu.core_type<sc_vector_subcore>, window_params = [{transform_indices = #map}, {transform_indices = #map1}, {transform_indices = #map1}, {transform_indices = #map}]} {
    %mul3A = arith.constant 16 : i32
    %mul3A_0 = arith.muli %arg0, %mul3A : i32
    %add3A = arith.addi %mul3A_0, %arg1 : i32
    %mul3A_1 = arith.constant 640 : i32
    %mul3A_2 = arith.muli %arg1, %mul3A_1 : i32
    "tpu.region"() ({
      %run_scoped3A = tpu.sem_alloc : memref<!tpu.dma_semaphore, #tpu.memory_space<semaphore_mem>>
      %dma_start3A = arith.constant 0 : i32
      %dma_start3A_13 = tpu.memref_slice %arg8[%mul3A_2, %dma_start3A] : memref<10240x128xf32, #tpu.memory_space<vmem_shared>> -> memref<640x128xf32, #tpu.memory_space<vmem_shared>>
      tpu.enqueue_dma source(%arg4 : memref<640x128xf32, #tpu.memory_space<hbm>>) target(%dma_start3A_13 : memref<640x128xf32, #tpu.memory_space<vmem_shared>>) target_semaphore(%run_scoped3A : memref<!tpu.dma_semaphore, #tpu.memory_space<semaphore_mem>>)
      %dma_wait3A = arith.constant 0 : i32
      %dma_wait3A_14 = tpu.memref_slice %arg8[%mul3A_2, %dma_wait3A] : memref<10240x128xf32, #tpu.memory_space<vmem_shared>> -> memref<640x128xf32, #tpu.memory_space<vmem_shared>>
      tpu.wait_dma2 semaphore(%run_scoped3A : memref<!tpu.dma_semaphore, #tpu.memory_space<semaphore_mem>>) src(%arg4 : memref<640x128xf32, #tpu.memory_space<hbm>>) dst(%dma_wait3A_14 : memref<640x128xf32, #tpu.memory_space<vmem_shared>>)
      tpu.yield
    }) : () -> ()
    "tpu.region"() ({
      %run_scoped3A = tpu.sem_alloc : memref<!tpu.dma_semaphore, #tpu.memory_space<semaphore_mem>>
      tpu.enqueue_dma source(%arg3 : memref<125x128xf32, #tpu.memory_space<hbm>>) target(%arg7 : memref<125x128xf32, #tpu.memory_space<vmem>>) target_semaphore(%run_scoped3A : memref<!tpu.dma_semaphore, #tpu.memory_space<semaphore_mem>>)
      tpu.wait_dma2 semaphore(%run_scoped3A : memref<!tpu.dma_semaphore, #tpu.memory_space<semaphore_mem>>) src(%arg3 : memref<125x128xf32, #tpu.memory_space<hbm>>) dst(%arg7 : memref<125x128xf32, #tpu.memory_space<vmem>>)
      tpu.yield
    }) : () -> ()
    "tpu.region"() ({
      %run_scoped3A = tpu.sem_alloc : memref<!tpu.dma_semaphore, #tpu.memory_space<semaphore_mem>>
      %dma_start3A = arith.constant 0 : i32
      %dma_start3A_13 = arith.constant 0 : i32
      %dma_start3A_14 = tpu.memref_slice %arg2[%add3A, %dma_start3A, %dma_start3A_13] : memref<32x80x125xi32, #tpu.memory_space<hbm>> -> memref<1x80x125xi32, #tpu.memory_space<hbm>>
      %dma_start3A_15 = tpu.memref_squeeze %dma_start3A_14 : memref<1x80x125xi32, #tpu.memory_space<hbm>> -> memref<80x125xi32, #tpu.memory_space<hbm>>
      %dma_start3A_16 = arith.constant 0 : i32
      %dma_start3A_17 = arith.constant 0 : i32
      %dma_start3A_18 = tpu.memref_slice %arg2[%add3A, %dma_start3A_16, %dma_start3A_17] : memref<32x80x125xi32, #tpu.memory_space<hbm>> -> memref<1x80x125xi32, #tpu.memory_space<hbm>>
      %dma_start3A_19 = tpu.memref_squeeze %dma_start3A_18 : memref<1x80x125xi32, #tpu.memory_space<hbm>> -> memref<80x125xi32, #tpu.memory_space<hbm>>
      tpu.enqueue_dma source(%dma_start3A_19 : memref<80x125xi32, #tpu.memory_space<hbm>>) target(%arg6 : memref<80x125xi32, #tpu.memory_space<vmem>>) target_semaphore(%run_scoped3A : memref<!tpu.dma_semaphore, #tpu.memory_space<semaphore_mem>>)
      %dma_wait3A = arith.constant 0 : i32
      %dma_wait3A_20 = arith.constant 0 : i32
      %dma_wait3A_21 = tpu.memref_slice %arg2[%add3A, %dma_wait3A, %dma_wait3A_20] : memref<32x80x125xi32, #tpu.memory_space<hbm>> -> memref<1x80x125xi32, #tpu.memory_space<hbm>>
      %dma_wait3A_22 = tpu.memref_squeeze %dma_wait3A_21 : memref<1x80x125xi32, #tpu.memory_space<hbm>> -> memref<80x125xi32, #tpu.memory_space<hbm>>
      %dma_wait3A_23 = arith.constant 0 : i32
      %dma_wait3A_24 = arith.constant 0 : i32
      %dma_wait3A_25 = tpu.memref_slice %arg2[%add3A, %dma_wait3A_23, %dma_wait3A_24] : memref<32x80x125xi32, #tpu.memory_space<hbm>> -> memref<1x80x125xi32, #tpu.memory_space<hbm>>
      %dma_wait3A_26 = tpu.memref_squeeze %dma_wait3A_25 : memref<1x80x125xi32, #tpu.memory_space<hbm>> -> memref<80x125xi32, #tpu.memory_space<hbm>>
      tpu.wait_dma2 semaphore(%run_scoped3A : memref<!tpu.dma_semaphore, #tpu.memory_space<semaphore_mem>>) src(%dma_wait3A_26 : memref<80x125xi32, #tpu.memory_space<hbm>>) dst(%arg6 : memref<80x125xi32, #tpu.memory_space<vmem>>)
      tpu.yield
    }) : () -> ()
    %barrier3A = arith.constant 0 : index
    tpu.barrier barrier_id(%barrier3A)
    %scan3A = arith.constant 0 : i32
    %scan3A_3 = arith.constant 0 : i32
    %scan3A_4 = arith.constant 80 : i32
    %scan3A_5 = arith.addi %scan3A_3, %scan3A_4 : i32
    %scan3A_6 = arith.constant 1 : i32
    scf.for %scan3A_13 = %scan3A_3 to %scan3A_5 step %scan3A_6  : i32 {
      "tpu.region"() ({
        %run_scoped3A = tpu.sem_alloc : memref<!tpu.dma_semaphore, #tpu.memory_space<semaphore_mem>>
        %dma_start3A = arith.constant 0 : i32
        %dma_start3A_14 = tpu.memref_slice %arg6[%scan3A_13, %dma_start3A] : memref<80x125xi32, #tpu.memory_space<vmem>> -> memref<1x125xi32, #tpu.memory_space<vmem>>
        %dma_start3A_15 = tpu.memref_squeeze %dma_start3A_14 : memref<1x125xi32, #tpu.memory_space<vmem>> -> memref<125xi32, #tpu.memory_space<vmem>>
        %dma_start3A_16 = arith.constant 0 : i32
        %dma_start3A_17 = arith.constant 0 : i32
        %dma_start3A_18 = tpu.memref_slice %arg8[%dma_start3A_16, %dma_start3A_17] : memref<10240x128xf32, #tpu.memory_space<vmem_shared>> -> memref<10240x128xf32, #tpu.memory_space<vmem_shared>>
        tpu.enqueue_indirect_dma source(%arg7 : memref<125x128xf32, #tpu.memory_space<vmem>>) target(%dma_start3A_18 : memref<10240x128xf32, #tpu.memory_space<vmem_shared>>) offsets(%dma_start3A_15 : memref<125xi32, #tpu.memory_space<vmem>>) semaphore(%run_scoped3A : memref<!tpu.dma_semaphore, #tpu.memory_space<semaphore_mem>>) {add = true}
        %dma_wait3A = arith.constant 0 : i32
        %dma_wait3A_19 = tpu.memref_slice %arg6[%scan3A_13, %dma_wait3A] : memref<80x125xi32, #tpu.memory_space<vmem>> -> memref<1x125xi32, #tpu.memory_space<vmem>>
        %dma_wait3A_20 = tpu.memref_squeeze %dma_wait3A_19 : memref<1x125xi32, #tpu.memory_space<vmem>> -> memref<125xi32, #tpu.memory_space<vmem>>
        %dma_wait3A_21 = arith.constant 0 : i32
        %dma_wait3A_22 = arith.constant 0 : i32
        %dma_wait3A_23 = tpu.memref_slice %arg8[%dma_wait3A_21, %dma_wait3A_22] : memref<10240x128xf32, #tpu.memory_space<vmem_shared>> -> memref<10240x128xf32, #tpu.memory_space<vmem_shared>>
        tpu.wait_indirect_dma semaphore(%run_scoped3A : memref<!tpu.dma_semaphore, #tpu.memory_space<semaphore_mem>>) src(%arg7 : memref<125x128xf32, #tpu.memory_space<vmem>>) dst(%dma_wait3A_23 : memref<10240x128xf32, #tpu.memory_space<vmem_shared>>)
        tpu.yield
      }) : () -> ()
    }
    %scan3A_7 = arith.constant 80 : i32
    %barrier3A_8 = arith.constant 0 : index
    tpu.barrier barrier_id(%barrier3A_8)
    %mul3A_9 = arith.constant 640 : i32
    %mul3A_10 = arith.muli %arg1, %mul3A_9 : i32
    %mul3A_11 = arith.constant 640 : i32
    %mul3A_12 = arith.muli %arg1, %mul3A_11 : i32
    "tpu.region"() ({
      %run_scoped3A = tpu.sem_alloc : memref<!tpu.dma_semaphore, #tpu.memory_space<semaphore_mem>>
      %dma_start3A = arith.constant 0 : i32
      %dma_start3A_13 = tpu.memref_slice %arg5[%arg0, %mul3A_12, %dma_start3A] : memref<2x10240x128xf32, #tpu.memory_space<hbm>> -> memref<1x640x128xf32, #tpu.memory_space<hbm>>
      %dma_start3A_14 = tpu.memref_squeeze %dma_start3A_13 : memref<1x640x128xf32, #tpu.memory_space<hbm>> -> memref<640x128xf32, #tpu.memory_space<hbm>>
      %dma_start3A_15 = arith.constant 0 : i32
      %dma_start3A_16 = tpu.memref_slice %arg8[%mul3A_10, %dma_start3A_15] : memref<10240x128xf32, #tpu.memory_space<vmem_shared>> -> memref<640x128xf32, #tpu.memory_space<vmem_shared>>
      tpu.enqueue_dma source(%dma_start3A_16 : memref<640x128xf32, #tpu.memory_space<vmem_shared>>) target(%dma_start3A_14 : memref<640x128xf32, #tpu.memory_space<hbm>>) target_semaphore(%run_scoped3A : memref<!tpu.dma_semaphore, #tpu.memory_space<semaphore_mem>>)
      %dma_wait3A = arith.constant 0 : i32
      %dma_wait3A_17 = tpu.memref_slice %arg5[%arg0, %mul3A_12, %dma_wait3A] : memref<2x10240x128xf32, #tpu.memory_space<hbm>> -> memref<1x640x128xf32, #tpu.memory_space<hbm>>
      %dma_wait3A_18 = tpu.memref_squeeze %dma_wait3A_17 : memref<1x640x128xf32, #tpu.memory_space<hbm>> -> memref<640x128xf32, #tpu.memory_space<hbm>>
      %dma_wait3A_19 = arith.constant 0 : i32
      %dma_wait3A_20 = tpu.memref_slice %arg8[%mul3A_10, %dma_wait3A_19] : memref<10240x128xf32, #tpu.memory_space<vmem_shared>> -> memref<640x128xf32, #tpu.memory_space<vmem_shared>>
      tpu.wait_dma2 semaphore(%run_scoped3A : memref<!tpu.dma_semaphore, #tpu.memory_space<semaphore_mem>>) src(%dma_wait3A_20 : memref<640x128xf32, #tpu.memory_space<vmem_shared>>) dst(%dma_wait3A_18 : memref<640x128xf32, #tpu.memory_space<hbm>>)
      tpu.yield
    }) : () -> ()
    return
  }
}

#map = affine_map<(d0, d1) -> (0, 0)>
#map1 = affine_map<(d0, d1) -> (0, 0, 0)>
module attributes {stable_mosaic.version = 14 : i64} {
  func.func @_sc_segsum(%arg0: i32, %arg1: i32, %arg2: memref<10000x128xf32, #tpu.memory_space<hbm>>, %arg3: memref<32x80x125xi32, #tpu.memory_space<hbm>>, %arg4: memref<32x80x125xi32, #tpu.memory_space<hbm>>, %arg5: memref<640x128xf32, #tpu.memory_space<hbm>>, %arg6: memref<2x10240x128xf32, #tpu.memory_space<hbm>>, %arg7: memref<80x125xi32, #tpu.memory_space<vmem>>, %arg8: memref<8x125xi32, #tpu.memory_space<vmem>>, %arg9: memref<125x128xf32, #tpu.memory_space<vmem>>, %arg10: memref<125x128xf32, #tpu.memory_space<vmem>>, %arg11: memref<10240x128xf32, #tpu.memory_space<vmem_shared>>, %arg12: memref<!tpu.dma_semaphore, #tpu.memory_space<semaphore_mem>>, %arg13: memref<!tpu.dma_semaphore, #tpu.memory_space<semaphore_mem>>, %arg14: memref<!tpu.dma_semaphore, #tpu.memory_space<semaphore_mem>>) attributes {dimension_semantics = [#tpu.dimension_semantics<core_parallel>, #tpu.dimension_semantics<subcore_parallel>], iteration_bounds = array<i64: 2, 16>, scalar_prefetch = 0 : i64, scratch_operands = 8 : i64, tpu.core_type = #tpu.core_type<sc_vector_subcore>, window_params = [{transform_indices = #map}, {transform_indices = #map1}, {transform_indices = #map1}, {transform_indices = #map}, {transform_indices = #map1}]} {
    %mul3A = arith.constant 16 : i32
    %mul3A_0 = arith.muli %arg0, %mul3A : i32
    %add3A = arith.addi %mul3A_0, %arg1 : i32
    %mul3A_1 = arith.constant 640 : i32
    %mul3A_2 = arith.muli %arg1, %mul3A_1 : i32
    "tpu.region"() ({
      %run_scoped3A = tpu.sem_alloc : memref<!tpu.dma_semaphore, #tpu.memory_space<semaphore_mem>>
      %dma_start3A_25 = arith.constant 0 : i32
      %dma_start3A_26 = tpu.memref_slice %arg11[%mul3A_2, %dma_start3A_25] : memref<10240x128xf32, #tpu.memory_space<vmem_shared>> -> memref<640x128xf32, #tpu.memory_space<vmem_shared>>
      tpu.enqueue_dma source(%arg5 : memref<640x128xf32, #tpu.memory_space<hbm>>) target(%dma_start3A_26 : memref<640x128xf32, #tpu.memory_space<vmem_shared>>) target_semaphore(%run_scoped3A : memref<!tpu.dma_semaphore, #tpu.memory_space<semaphore_mem>>)
      %dma_wait3A_27 = arith.constant 0 : i32
      %dma_wait3A_28 = tpu.memref_slice %arg11[%mul3A_2, %dma_wait3A_27] : memref<10240x128xf32, #tpu.memory_space<vmem_shared>> -> memref<640x128xf32, #tpu.memory_space<vmem_shared>>
      tpu.wait_dma2 semaphore(%run_scoped3A : memref<!tpu.dma_semaphore, #tpu.memory_space<semaphore_mem>>) src(%arg5 : memref<640x128xf32, #tpu.memory_space<hbm>>) dst(%dma_wait3A_28 : memref<640x128xf32, #tpu.memory_space<vmem_shared>>)
      tpu.yield
    }) : () -> ()
    "tpu.region"() ({
      %run_scoped3A = tpu.sem_alloc : memref<!tpu.dma_semaphore, #tpu.memory_space<semaphore_mem>>
      %dma_start3A_25 = arith.constant 0 : i32
      %dma_start3A_26 = arith.constant 0 : i32
      %dma_start3A_27 = tpu.memref_slice %arg3[%add3A, %dma_start3A_25, %dma_start3A_26] : memref<32x80x125xi32, #tpu.memory_space<hbm>> -> memref<1x80x125xi32, #tpu.memory_space<hbm>>
      %dma_start3A_28 = tpu.memref_squeeze %dma_start3A_27 : memref<1x80x125xi32, #tpu.memory_space<hbm>> -> memref<80x125xi32, #tpu.memory_space<hbm>>
      %dma_start3A_29 = arith.constant 0 : i32
      %dma_start3A_30 = arith.constant 0 : i32
      %dma_start3A_31 = tpu.memref_slice %arg3[%add3A, %dma_start3A_29, %dma_start3A_30] : memref<32x80x125xi32, #tpu.memory_space<hbm>> -> memref<1x80x125xi32, #tpu.memory_space<hbm>>
      %dma_start3A_32 = tpu.memref_squeeze %dma_start3A_31 : memref<1x80x125xi32, #tpu.memory_space<hbm>> -> memref<80x125xi32, #tpu.memory_space<hbm>>
      tpu.enqueue_dma source(%dma_start3A_32 : memref<80x125xi32, #tpu.memory_space<hbm>>) target(%arg7 : memref<80x125xi32, #tpu.memory_space<vmem>>) target_semaphore(%run_scoped3A : memref<!tpu.dma_semaphore, #tpu.memory_space<semaphore_mem>>)
      %dma_wait3A_33 = arith.constant 0 : i32
      %dma_wait3A_34 = arith.constant 0 : i32
      %dma_wait3A_35 = tpu.memref_slice %arg3[%add3A, %dma_wait3A_33, %dma_wait3A_34] : memref<32x80x125xi32, #tpu.memory_space<hbm>> -> memref<1x80x125xi32, #tpu.memory_space<hbm>>
      %dma_wait3A_36 = tpu.memref_squeeze %dma_wait3A_35 : memref<1x80x125xi32, #tpu.memory_space<hbm>> -> memref<80x125xi32, #tpu.memory_space<hbm>>
      %dma_wait3A_37 = arith.constant 0 : i32
      %dma_wait3A_38 = arith.constant 0 : i32
      %dma_wait3A_39 = tpu.memref_slice %arg3[%add3A, %dma_wait3A_37, %dma_wait3A_38] : memref<32x80x125xi32, #tpu.memory_space<hbm>> -> memref<1x80x125xi32, #tpu.memory_space<hbm>>
      %dma_wait3A_40 = tpu.memref_squeeze %dma_wait3A_39 : memref<1x80x125xi32, #tpu.memory_space<hbm>> -> memref<80x125xi32, #tpu.memory_space<hbm>>
      tpu.wait_dma2 semaphore(%run_scoped3A : memref<!tpu.dma_semaphore, #tpu.memory_space<semaphore_mem>>) src(%dma_wait3A_40 : memref<80x125xi32, #tpu.memory_space<hbm>>) dst(%arg7 : memref<80x125xi32, #tpu.memory_space<vmem>>)
      tpu.yield
    }) : () -> ()
    %barrier3A = arith.constant 0 : index
    tpu.barrier barrier_id(%barrier3A)
    %dma_start3A = arith.constant 0 : i32
    %dma_start3A_3 = arith.constant 0 : i32
    %dma_start3A_4 = tpu.memref_slice %arg7[%dma_start3A, %dma_start3A_3] : memref<80x125xi32, #tpu.memory_space<vmem>> -> memref<1x125xi32, #tpu.memory_space<vmem>>
    %dma_start3A_5 = tpu.memref_squeeze %dma_start3A_4 : memref<1x125xi32, #tpu.memory_space<vmem>> -> memref<125xi32, #tpu.memory_space<vmem>>
    %dma_start3A_6 = arith.constant 0 : i32
    %dma_start3A_7 = arith.constant 0 : i32
    %dma_start3A_8 = tpu.memref_slice %arg2[%dma_start3A_6, %dma_start3A_7] : memref<10000x128xf32, #tpu.memory_space<hbm>> -> memref<10000x128xf32, #tpu.memory_space<hbm>>
    tpu.enqueue_indirect_dma source(%dma_start3A_8 : memref<10000x128xf32, #tpu.memory_space<hbm>>) target(%arg9 : memref<125x128xf32, #tpu.memory_space<vmem>>) offsets(%dma_start3A_5 : memref<125xi32, #tpu.memory_space<vmem>>) semaphore(%arg12 : memref<!tpu.dma_semaphore, #tpu.memory_space<semaphore_mem>>)
    %dma_wait3A = arith.constant 0 : i32
    %dma_wait3A_9 = arith.constant 0 : i32
    %dma_wait3A_10 = tpu.memref_slice %arg7[%dma_wait3A, %dma_wait3A_9] : memref<80x125xi32, #tpu.memory_space<vmem>> -> memref<1x125xi32, #tpu.memory_space<vmem>>
    %dma_wait3A_11 = tpu.memref_squeeze %dma_wait3A_10 : memref<1x125xi32, #tpu.memory_space<vmem>> -> memref<125xi32, #tpu.memory_space<vmem>>
    %dma_wait3A_12 = arith.constant 0 : i32
    %dma_wait3A_13 = arith.constant 0 : i32
    %dma_wait3A_14 = tpu.memref_slice %arg2[%dma_wait3A_12, %dma_wait3A_13] : memref<10000x128xf32, #tpu.memory_space<hbm>> -> memref<10000x128xf32, #tpu.memory_space<hbm>>
    tpu.wait_indirect_dma semaphore(%arg12 : memref<!tpu.dma_semaphore, #tpu.memory_space<semaphore_mem>>) src(%dma_wait3A_14 : memref<10000x128xf32, #tpu.memory_space<hbm>>) dst(%arg9 : memref<125x128xf32, #tpu.memory_space<vmem>>)
    %scan3A = arith.constant 0 : i32
    %scan3A_15 = arith.constant 0 : i32
    %scan3A_16 = arith.constant 10 : i32
    %scan3A_17 = arith.addi %scan3A_15, %scan3A_16 : i32
    %scan3A_18 = arith.constant 1 : i32
    scf.for %scan3A_25 = %scan3A_15 to %scan3A_17 step %scan3A_18  : i32 {
      %mul3A_26 = arith.constant 8 : i32
      %mul3A_27 = arith.muli %scan3A_25, %mul3A_26 : i32
      "tpu.region"() ({
        %run_scoped3A = tpu.sem_alloc : memref<!tpu.dma_semaphore, #tpu.memory_space<semaphore_mem>>
        %dma_start3A_248 = arith.constant 0 : i32
        %dma_start3A_249 = tpu.memref_slice %arg4[%add3A, %mul3A_27, %dma_start3A_248] : memref<32x80x125xi32, #tpu.memory_space<hbm>> -> memref<1x8x125xi32, #tpu.memory_space<hbm>>
        %dma_start3A_250 = tpu.memref_squeeze %dma_start3A_249 : memref<1x8x125xi32, #tpu.memory_space<hbm>> -> memref<8x125xi32, #tpu.memory_space<hbm>>
        %dma_start3A_251 = arith.constant 0 : i32
        %dma_start3A_252 = tpu.memref_slice %arg4[%add3A, %mul3A_27, %dma_start3A_251] : memref<32x80x125xi32, #tpu.memory_space<hbm>> -> memref<1x8x125xi32, #tpu.memory_space<hbm>>
        %dma_start3A_253 = tpu.memref_squeeze %dma_start3A_252 : memref<1x8x125xi32, #tpu.memory_space<hbm>> -> memref<8x125xi32, #tpu.memory_space<hbm>>
        tpu.enqueue_dma source(%dma_start3A_253 : memref<8x125xi32, #tpu.memory_space<hbm>>) target(%arg8 : memref<8x125xi32, #tpu.memory_space<vmem>>) target_semaphore(%run_scoped3A : memref<!tpu.dma_semaphore, #tpu.memory_space<semaphore_mem>>)
        %dma_wait3A_254 = arith.constant 0 : i32
        %dma_wait3A_255 = tpu.memref_slice %arg4[%add3A, %mul3A_27, %dma_wait3A_254] : memref<32x80x125xi32, #tpu.memory_space<hbm>> -> memref<1x8x125xi32, #tpu.memory_space<hbm>>
        %dma_wait3A_256 = tpu.memref_squeeze %dma_wait3A_255 : memref<1x8x125xi32, #tpu.memory_space<hbm>> -> memref<8x125xi32, #tpu.memory_space<hbm>>
        %dma_wait3A_257 = arith.constant 0 : i32
        %dma_wait3A_258 = tpu.memref_slice %arg4[%add3A, %mul3A_27, %dma_wait3A_257] : memref<32x80x125xi32, #tpu.memory_space<hbm>> -> memref<1x8x125xi32, #tpu.memory_space<hbm>>
        %dma_wait3A_259 = tpu.memref_squeeze %dma_wait3A_258 : memref<1x8x125xi32, #tpu.memory_space<hbm>> -> memref<8x125xi32, #tpu.memory_space<hbm>>
        tpu.wait_dma2 semaphore(%run_scoped3A : memref<!tpu.dma_semaphore, #tpu.memory_space<semaphore_mem>>) src(%dma_wait3A_259 : memref<8x125xi32, #tpu.memory_space<hbm>>) dst(%arg8 : memref<8x125xi32, #tpu.memory_space<vmem>>)
        tpu.yield
      }) : () -> ()
      %add3A_28 = arith.constant 0 : i32
      %add3A_29 = arith.addi %mul3A_27, %add3A_28 : i32
      %add3A_30 = arith.constant 1 : i32
      %add3A_31 = arith.addi %add3A_29, %add3A_30 : i32
      %dma_start3A_32 = arith.constant 0 : i32
      %dma_start3A_33 = arith.constant 0 : i32
      %dma_start3A_34 = tpu.memref_slice %arg8[%dma_start3A_32, %dma_start3A_33] : memref<8x125xi32, #tpu.memory_space<vmem>> -> memref<1x125xi32, #tpu.memory_space<vmem>>
      %dma_start3A_35 = tpu.memref_squeeze %dma_start3A_34 : memref<1x125xi32, #tpu.memory_space<vmem>> -> memref<125xi32, #tpu.memory_space<vmem>>
      %dma_start3A_36 = arith.constant 0 : i32
      %dma_start3A_37 = arith.constant 0 : i32
      %dma_start3A_38 = tpu.memref_slice %arg11[%dma_start3A_36, %dma_start3A_37] : memref<10240x128xf32, #tpu.memory_space<vmem_shared>> -> memref<10240x128xf32, #tpu.memory_space<vmem_shared>>
      tpu.enqueue_indirect_dma source(%arg9 : memref<125x128xf32, #tpu.memory_space<vmem>>) target(%dma_start3A_38 : memref<10240x128xf32, #tpu.memory_space<vmem_shared>>) offsets(%dma_start3A_35 : memref<125xi32, #tpu.memory_space<vmem>>) semaphore(%arg13 : memref<!tpu.dma_semaphore, #tpu.memory_space<semaphore_mem>>) {add = true}
      %dma_start3A_39 = arith.constant 0 : i32
      %dma_start3A_40 = tpu.memref_slice %arg7[%add3A_31, %dma_start3A_39] : memref<80x125xi32, #tpu.memory_space<vmem>> -> memref<1x125xi32, #tpu.memory_space<vmem>>
      %dma_start3A_41 = tpu.memref_squeeze %dma_start3A_40 : memref<1x125xi32, #tpu.memory_space<vmem>> -> memref<125xi32, #tpu.memory_space<vmem>>
      %dma_start3A_42 = arith.constant 0 : i32
      %dma_start3A_43 = arith.constant 0 : i32
      %dma_start3A_44 = tpu.memref_slice %arg2[%dma_start3A_42, %dma_start3A_43] : memref<10000x128xf32, #tpu.memory_space<hbm>> -> memref<10000x128xf32, #tpu.memory_space<hbm>>
      tpu.enqueue_indirect_dma source(%dma_start3A_44 : memref<10000x128xf32, #tpu.memory_space<hbm>>) target(%arg10 : memref<125x128xf32, #tpu.memory_space<vmem>>) offsets(%dma_start3A_41 : memref<125xi32, #tpu.memory_space<vmem>>) semaphore(%arg12 : memref<!tpu.dma_semaphore, #tpu.memory_space<semaphore_mem>>)
      %dma_wait3A_45 = arith.constant 0 : i32
      %dma_wait3A_46 = tpu.memref_slice %arg7[%add3A_31, %dma_wait3A_45] : memref<80x125xi32, #tpu.memory_space<vmem>> -> memref<1x125xi32, #tpu.memory_space<vmem>>
      %dma_wait3A_47 = tpu.memref_squeeze %dma_wait3A_46 : memref<1x125xi32, #tpu.memory_space<vmem>> -> memref<125xi32, #tpu.memory_space<vmem>>
      %dma_wait3A_48 = arith.constant 0 : i32
      %dma_wait3A_49 = arith.constant 0 : i32
      %dma_wait3A_50 = tpu.memref_slice %arg2[%dma_wait3A_48, %dma_wait3A_49] : memref<10000x128xf32, #tpu.memory_space<hbm>> -> memref<10000x128xf32, #tpu.memory_space<hbm>>
      tpu.wait_indirect_dma semaphore(%arg12 : memref<!tpu.dma_semaphore, #tpu.memory_space<semaphore_mem>>) src(%dma_wait3A_50 : memref<10000x128xf32, #tpu.memory_space<hbm>>) dst(%arg10 : memref<125x128xf32, #tpu.memory_space<vmem>>)
      %dma_start3A_51 = arith.constant 1 : i32
      %dma_start3A_52 = arith.constant 0 : i32
      %dma_start3A_53 = tpu.memref_slice %arg8[%dma_start3A_51, %dma_start3A_52] : memref<8x125xi32, #tpu.memory_space<vmem>> -> memref<1x125xi32, #tpu.memory_space<vmem>>
      %dma_start3A_54 = tpu.memref_squeeze %dma_start3A_53 : memref<1x125xi32, #tpu.memory_space<vmem>> -> memref<125xi32, #tpu.memory_space<vmem>>
      %dma_start3A_55 = arith.constant 0 : i32
      %dma_start3A_56 = arith.constant 0 : i32
      %dma_start3A_57 = tpu.memref_slice %arg11[%dma_start3A_55, %dma_start3A_56] : memref<10240x128xf32, #tpu.memory_space<vmem_shared>> -> memref<10240x128xf32, #tpu.memory_space<vmem_shared>>
      tpu.enqueue_indirect_dma source(%arg10 : memref<125x128xf32, #tpu.memory_space<vmem>>) target(%dma_start3A_57 : memref<10240x128xf32, #tpu.memory_space<vmem_shared>>) offsets(%dma_start3A_54 : memref<125xi32, #tpu.memory_space<vmem>>) semaphore(%arg14 : memref<!tpu.dma_semaphore, #tpu.memory_space<semaphore_mem>>) {add = true}
      %dma_wait3A_58 = arith.constant 0 : i32
      %dma_wait3A_59 = arith.constant 0 : i32
      %dma_wait3A_60 = tpu.memref_slice %arg8[%dma_wait3A_58, %dma_wait3A_59] : memref<8x125xi32, #tpu.memory_space<vmem>> -> memref<1x125xi32, #tpu.memory_space<vmem>>
      %dma_wait3A_61 = tpu.memref_squeeze %dma_wait3A_60 : memref<1x125xi32, #tpu.memory_space<vmem>> -> memref<125xi32, #tpu.memory_space<vmem>>
      %dma_wait3A_62 = arith.constant 0 : i32
      %dma_wait3A_63 = arith.constant 0 : i32
      %dma_wait3A_64 = tpu.memref_slice %arg11[%dma_wait3A_62, %dma_wait3A_63] : memref<10240x128xf32, #tpu.memory_space<vmem_shared>> -> memref<10240x128xf32, #tpu.memory_space<vmem_shared>>
      tpu.wait_indirect_dma semaphore(%arg13 : memref<!tpu.dma_semaphore, #tpu.memory_space<semaphore_mem>>) src(%arg9 : memref<125x128xf32, #tpu.memory_space<vmem>>) dst(%dma_wait3A_64 : memref<10240x128xf32, #tpu.memory_space<vmem_shared>>)
      %add3A_65 = arith.constant 1 : i32
      %add3A_66 = arith.addi %add3A_31, %add3A_65 : i32
      %dma_start3A_67 = arith.constant 0 : i32
      %dma_start3A_68 = tpu.memref_slice %arg7[%add3A_66, %dma_start3A_67] : memref<80x125xi32, #tpu.memory_space<vmem>> -> memref<1x125xi32, #tpu.memory_space<vmem>>
      %dma_start3A_69 = tpu.memref_squeeze %dma_start3A_68 : memref<1x125xi32, #tpu.memory_space<vmem>> -> memref<125xi32, #tpu.memory_space<vmem>>
      %dma_start3A_70 = arith.constant 0 : i32
      %dma_start3A_71 = arith.constant 0 : i32
      %dma_start3A_72 = tpu.memref_slice %arg2[%dma_start3A_70, %dma_start3A_71] : memref<10000x128xf32, #tpu.memory_space<hbm>> -> memref<10000x128xf32, #tpu.memory_space<hbm>>
      tpu.enqueue_indirect_dma source(%dma_start3A_72 : memref<10000x128xf32, #tpu.memory_space<hbm>>) target(%arg9 : memref<125x128xf32, #tpu.memory_space<vmem>>) offsets(%dma_start3A_69 : memref<125xi32, #tpu.memory_space<vmem>>) semaphore(%arg12 : memref<!tpu.dma_semaphore, #tpu.memory_space<semaphore_mem>>)
      %dma_wait3A_73 = arith.constant 0 : i32
      %dma_wait3A_74 = tpu.memref_slice %arg7[%add3A_66, %dma_wait3A_73] : memref<80x125xi32, #tpu.memory_space<vmem>> -> memref<1x125xi32, #tpu.memory_space<vmem>>
      %dma_wait3A_75 = tpu.memref_squeeze %dma_wait3A_74 : memref<1x125xi32, #tpu.memory_space<vmem>> -> memref<125xi32, #tpu.memory_space<vmem>>
      %dma_wait3A_76 = arith.constant 0 : i32
      %dma_wait3A_77 = arith.constant 0 : i32
      %dma_wait3A_78 = tpu.memref_slice %arg2[%dma_wait3A_76, %dma_wait3A_77] : memref<10000x128xf32, #tpu.memory_space<hbm>> -> memref<10000x128xf32, #tpu.memory_space<hbm>>
      tpu.wait_indirect_dma semaphore(%arg12 : memref<!tpu.dma_semaphore, #tpu.memory_space<semaphore_mem>>) src(%dma_wait3A_78 : memref<10000x128xf32, #tpu.memory_space<hbm>>) dst(%arg9 : memref<125x128xf32, #tpu.memory_space<vmem>>)
      %dma_wait3A_79 = arith.constant 1 : i32
      %dma_wait3A_80 = arith.constant 0 : i32
      %dma_wait3A_81 = tpu.memref_slice %arg8[%dma_wait3A_79, %dma_wait3A_80] : memref<8x125xi32, #tpu.memory_space<vmem>> -> memref<1x125xi32, #tpu.memory_space<vmem>>
      %dma_wait3A_82 = tpu.memref_squeeze %dma_wait3A_81 : memref<1x125xi32, #tpu.memory_space<vmem>> -> memref<125xi32, #tpu.memory_space<vmem>>
      %dma_wait3A_83 = arith.constant 0 : i32
      %dma_wait3A_84 = arith.constant 0 : i32
      %dma_wait3A_85 = tpu.memref_slice %arg11[%dma_wait3A_83, %dma_wait3A_84] : memref<10240x128xf32, #tpu.memory_space<vmem_shared>> -> memref<10240x128xf32, #tpu.memory_space<vmem_shared>>
      tpu.wait_indirect_dma semaphore(%arg14 : memref<!tpu.dma_semaphore, #tpu.memory_space<semaphore_mem>>) src(%arg10 : memref<125x128xf32, #tpu.memory_space<vmem>>) dst(%dma_wait3A_85 : memref<10240x128xf32, #tpu.memory_space<vmem_shared>>)
      %add3A_86 = arith.constant 2 : i32
      %add3A_87 = arith.addi %mul3A_27, %add3A_86 : i32
      %add3A_88 = arith.constant 1 : i32
      %add3A_89 = arith.addi %add3A_87, %add3A_88 : i32
      %dma_start3A_90 = arith.constant 2 : i32
      %dma_start3A_91 = arith.constant 0 : i32
      %dma_start3A_92 = tpu.memref_slice %arg8[%dma_start3A_90, %dma_start3A_91] : memref<8x125xi32, #tpu.memory_space<vmem>> -> memref<1x125xi32, #tpu.memory_space<vmem>>
      %dma_start3A_93 = tpu.memref_squeeze %dma_start3A_92 : memref<1x125xi32, #tpu.memory_space<vmem>> -> memref<125xi32, #tpu.memory_space<vmem>>
      %dma_start3A_94 = arith.constant 0 : i32
      %dma_start3A_95 = arith.constant 0 : i32
      %dma_start3A_96 = tpu.memref_slice %arg11[%dma_start3A_94, %dma_start3A_95] : memref<10240x128xf32, #tpu.memory_space<vmem_shared>> -> memref<10240x128xf32, #tpu.memory_space<vmem_shared>>
      tpu.enqueue_indirect_dma source(%arg9 : memref<125x128xf32, #tpu.memory_space<vmem>>) target(%dma_start3A_96 : memref<10240x128xf32, #tpu.memory_space<vmem_shared>>) offsets(%dma_start3A_93 : memref<125xi32, #tpu.memory_space<vmem>>) semaphore(%arg13 : memref<!tpu.dma_semaphore, #tpu.memory_space<semaphore_mem>>) {add = true}
      %dma_start3A_97 = arith.constant 0 : i32
      %dma_start3A_98 = tpu.memref_slice %arg7[%add3A_89, %dma_start3A_97] : memref<80x125xi32, #tpu.memory_space<vmem>> -> memref<1x125xi32, #tpu.memory_space<vmem>>
      %dma_start3A_99 = tpu.memref_squeeze %dma_start3A_98 : memref<1x125xi32, #tpu.memory_space<vmem>> -> memref<125xi32, #tpu.memory_space<vmem>>
      %dma_start3A_100 = arith.constant 0 : i32
      %dma_start3A_101 = arith.constant 0 : i32
      %dma_start3A_102 = tpu.memref_slice %arg2[%dma_start3A_100, %dma_start3A_101] : memref<10000x128xf32, #tpu.memory_space<hbm>> -> memref<10000x128xf32, #tpu.memory_space<hbm>>
      tpu.enqueue_indirect_dma source(%dma_start3A_102 : memref<10000x128xf32, #tpu.memory_space<hbm>>) target(%arg10 : memref<125x128xf32, #tpu.memory_space<vmem>>) offsets(%dma_start3A_99 : memref<125xi32, #tpu.memory_space<vmem>>) semaphore(%arg12 : memref<!tpu.dma_semaphore, #tpu.memory_space<semaphore_mem>>)
      %dma_wait3A_103 = arith.constant 0 : i32
      %dma_wait3A_104 = tpu.memref_slice %arg7[%add3A_89, %dma_wait3A_103] : memref<80x125xi32, #tpu.memory_space<vmem>> -> memref<1x125xi32, #tpu.memory_space<vmem>>
      %dma_wait3A_105 = tpu.memref_squeeze %dma_wait3A_104 : memref<1x125xi32, #tpu.memory_space<vmem>> -> memref<125xi32, #tpu.memory_space<vmem>>
      %dma_wait3A_106 = arith.constant 0 : i32
      %dma_wait3A_107 = arith.constant 0 : i32
      %dma_wait3A_108 = tpu.memref_slice %arg2[%dma_wait3A_106, %dma_wait3A_107] : memref<10000x128xf32, #tpu.memory_space<hbm>> -> memref<10000x128xf32, #tpu.memory_space<hbm>>
      tpu.wait_indirect_dma semaphore(%arg12 : memref<!tpu.dma_semaphore, #tpu.memory_space<semaphore_mem>>) src(%dma_wait3A_108 : memref<10000x128xf32, #tpu.memory_space<hbm>>) dst(%arg10 : memref<125x128xf32, #tpu.memory_space<vmem>>)
      %dma_start3A_109 = arith.constant 3 : i32
      %dma_start3A_110 = arith.constant 0 : i32
      %dma_start3A_111 = tpu.memref_slice %arg8[%dma_start3A_109, %dma_start3A_110] : memref<8x125xi32, #tpu.memory_space<vmem>> -> memref<1x125xi32, #tpu.memory_space<vmem>>
      %dma_start3A_112 = tpu.memref_squeeze %dma_start3A_111 : memref<1x125xi32, #tpu.memory_space<vmem>> -> memref<125xi32, #tpu.memory_space<vmem>>
      %dma_start3A_113 = arith.constant 0 : i32
      %dma_start3A_114 = arith.constant 0 : i32
      %dma_start3A_115 = tpu.memref_slice %arg11[%dma_start3A_113, %dma_start3A_114] : memref<10240x128xf32, #tpu.memory_space<vmem_shared>> -> memref<10240x128xf32, #tpu.memory_space<vmem_shared>>
      tpu.enqueue_indirect_dma source(%arg10 : memref<125x128xf32, #tpu.memory_space<vmem>>) target(%dma_start3A_115 : memref<10240x128xf32, #tpu.memory_space<vmem_shared>>) offsets(%dma_start3A_112 : memref<125xi32, #tpu.memory_space<vmem>>) semaphore(%arg14 : memref<!tpu.dma_semaphore, #tpu.memory_space<semaphore_mem>>) {add = true}
      %dma_wait3A_116 = arith.constant 2 : i32
      %dma_wait3A_117 = arith.constant 0 : i32
      %dma_wait3A_118 = tpu.memref_slice %arg8[%dma_wait3A_116, %dma_wait3A_117] : memref<8x125xi32, #tpu.memory_space<vmem>> -> memref<1x125xi32, #tpu.memory_space<vmem>>
      %dma_wait3A_119 = tpu.memref_squeeze %dma_wait3A_118 : memref<1x125xi32, #tpu.memory_space<vmem>> -> memref<125xi32, #tpu.memory_space<vmem>>
      %dma_wait3A_120 = arith.constant 0 : i32
      %dma_wait3A_121 = arith.constant 0 : i32
      %dma_wait3A_122 = tpu.memref_slice %arg11[%dma_wait3A_120, %dma_wait3A_121] : memref<10240x128xf32, #tpu.memory_space<vmem_shared>> -> memref<10240x128xf32, #tpu.memory_space<vmem_shared>>
      tpu.wait_indirect_dma semaphore(%arg13 : memref<!tpu.dma_semaphore, #tpu.memory_space<semaphore_mem>>) src(%arg9 : memref<125x128xf32, #tpu.memory_space<vmem>>) dst(%dma_wait3A_122 : memref<10240x128xf32, #tpu.memory_space<vmem_shared>>)
      %add3A_123 = arith.constant 1 : i32
      %add3A_124 = arith.addi %add3A_89, %add3A_123 : i32
      %dma_start3A_125 = arith.constant 0 : i32
      %dma_start3A_126 = tpu.memref_slice %arg7[%add3A_124, %dma_start3A_125] : memref<80x125xi32, #tpu.memory_space<vmem>> -> memref<1x125xi32, #tpu.memory_space<vmem>>
      %dma_start3A_127 = tpu.memref_squeeze %dma_start3A_126 : memref<1x125xi32, #tpu.memory_space<vmem>> -> memref<125xi32, #tpu.memory_space<vmem>>
      %dma_start3A_128 = arith.constant 0 : i32
      %dma_start3A_129 = arith.constant 0 : i32
      %dma_start3A_130 = tpu.memref_slice %arg2[%dma_start3A_128, %dma_start3A_129] : memref<10000x128xf32, #tpu.memory_space<hbm>> -> memref<10000x128xf32, #tpu.memory_space<hbm>>
      tpu.enqueue_indirect_dma source(%dma_start3A_130 : memref<10000x128xf32, #tpu.memory_space<hbm>>) target(%arg9 : memref<125x128xf32, #tpu.memory_space<vmem>>) offsets(%dma_start3A_127 : memref<125xi32, #tpu.memory_space<vmem>>) semaphore(%arg12 : memref<!tpu.dma_semaphore, #tpu.memory_space<semaphore_mem>>)
      %dma_wait3A_131 = arith.constant 0 : i32
      %dma_wait3A_132 = tpu.memref_slice %arg7[%add3A_124, %dma_wait3A_131] : memref<80x125xi32, #tpu.memory_space<vmem>> -> memref<1x125xi32, #tpu.memory_space<vmem>>
      %dma_wait3A_133 = tpu.memref_squeeze %dma_wait3A_132 : memref<1x125xi32, #tpu.memory_space<vmem>> -> memref<125xi32, #tpu.memory_space<vmem>>
      %dma_wait3A_134 = arith.constant 0 : i32
      %dma_wait3A_135 = arith.constant 0 : i32
      %dma_wait3A_136 = tpu.memref_slice %arg2[%dma_wait3A_134, %dma_wait3A_135] : memref<10000x128xf32, #tpu.memory_space<hbm>> -> memref<10000x128xf32, #tpu.memory_space<hbm>>
      tpu.wait_indirect_dma semaphore(%arg12 : memref<!tpu.dma_semaphore, #tpu.memory_space<semaphore_mem>>) src(%dma_wait3A_136 : memref<10000x128xf32, #tpu.memory_space<hbm>>) dst(%arg9 : memref<125x128xf32, #tpu.memory_space<vmem>>)
      %dma_wait3A_137 = arith.constant 3 : i32
      %dma_wait3A_138 = arith.constant 0 : i32
      %dma_wait3A_139 = tpu.memref_slice %arg8[%dma_wait3A_137, %dma_wait3A_138] : memref<8x125xi32, #tpu.memory_space<vmem>> -> memref<1x125xi32, #tpu.memory_space<vmem>>
      %dma_wait3A_140 = tpu.memref_squeeze %dma_wait3A_139 : memref<1x125xi32, #tpu.memory_space<vmem>> -> memref<125xi32, #tpu.memory_space<vmem>>
      %dma_wait3A_141 = arith.constant 0 : i32
      %dma_wait3A_142 = arith.constant 0 : i32
      %dma_wait3A_143 = tpu.memref_slice %arg11[%dma_wait3A_141, %dma_wait3A_142] : memref<10240x128xf32, #tpu.memory_space<vmem_shared>> -> memref<10240x128xf32, #tpu.memory_space<vmem_shared>>
      tpu.wait_indirect_dma semaphore(%arg14 : memref<!tpu.dma_semaphore, #tpu.memory_space<semaphore_mem>>) src(%arg10 : memref<125x128xf32, #tpu.memory_space<vmem>>) dst(%dma_wait3A_143 : memref<10240x128xf32, #tpu.memory_space<vmem_shared>>)
      %add3A_144 = arith.constant 4 : i32
      %add3A_145 = arith.addi %mul3A_27, %add3A_144 : i32
      %add3A_146 = arith.constant 1 : i32
      %add3A_147 = arith.addi %add3A_145, %add3A_146 : i32
      %dma_start3A_148 = arith.constant 4 : i32
      %dma_start3A_149 = arith.constant 0 : i32
      %dma_start3A_150 = tpu.memref_slice %arg8[%dma_start3A_148, %dma_start3A_149] : memref<8x125xi32, #tpu.memory_space<vmem>> -> memref<1x125xi32, #tpu.memory_space<vmem>>
      %dma_start3A_151 = tpu.memref_squeeze %dma_start3A_150 : memref<1x125xi32, #tpu.memory_space<vmem>> -> memref<125xi32, #tpu.memory_space<vmem>>
      %dma_start3A_152 = arith.constant 0 : i32
      %dma_start3A_153 = arith.constant 0 : i32
      %dma_start3A_154 = tpu.memref_slice %arg11[%dma_start3A_152, %dma_start3A_153] : memref<10240x128xf32, #tpu.memory_space<vmem_shared>> -> memref<10240x128xf32, #tpu.memory_space<vmem_shared>>
      tpu.enqueue_indirect_dma source(%arg9 : memref<125x128xf32, #tpu.memory_space<vmem>>) target(%dma_start3A_154 : memref<10240x128xf32, #tpu.memory_space<vmem_shared>>) offsets(%dma_start3A_151 : memref<125xi32, #tpu.memory_space<vmem>>) semaphore(%arg13 : memref<!tpu.dma_semaphore, #tpu.memory_space<semaphore_mem>>) {add = true}
      %dma_start3A_155 = arith.constant 0 : i32
      %dma_start3A_156 = tpu.memref_slice %arg7[%add3A_147, %dma_start3A_155] : memref<80x125xi32, #tpu.memory_space<vmem>> -> memref<1x125xi32, #tpu.memory_space<vmem>>
      %dma_start3A_157 = tpu.memref_squeeze %dma_start3A_156 : memref<1x125xi32, #tpu.memory_space<vmem>> -> memref<125xi32, #tpu.memory_space<vmem>>
      %dma_start3A_158 = arith.constant 0 : i32
      %dma_start3A_159 = arith.constant 0 : i32
      %dma_start3A_160 = tpu.memref_slice %arg2[%dma_start3A_158, %dma_start3A_159] : memref<10000x128xf32, #tpu.memory_space<hbm>> -> memref<10000x128xf32, #tpu.memory_space<hbm>>
      tpu.enqueue_indirect_dma source(%dma_start3A_160 : memref<10000x128xf32, #tpu.memory_space<hbm>>) target(%arg10 : memref<125x128xf32, #tpu.memory_space<vmem>>) offsets(%dma_start3A_157 : memref<125xi32, #tpu.memory_space<vmem>>) semaphore(%arg12 : memref<!tpu.dma_semaphore, #tpu.memory_space<semaphore_mem>>)
      %dma_wait3A_161 = arith.constant 0 : i32
      %dma_wait3A_162 = tpu.memref_slice %arg7[%add3A_147, %dma_wait3A_161] : memref<80x125xi32, #tpu.memory_space<vmem>> -> memref<1x125xi32, #tpu.memory_space<vmem>>
      %dma_wait3A_163 = tpu.memref_squeeze %dma_wait3A_162 : memref<1x125xi32, #tpu.memory_space<vmem>> -> memref<125xi32, #tpu.memory_space<vmem>>
      %dma_wait3A_164 = arith.constant 0 : i32
      %dma_wait3A_165 = arith.constant 0 : i32
      %dma_wait3A_166 = tpu.memref_slice %arg2[%dma_wait3A_164, %dma_wait3A_165] : memref<10000x128xf32, #tpu.memory_space<hbm>> -> memref<10000x128xf32, #tpu.memory_space<hbm>>
      tpu.wait_indirect_dma semaphore(%arg12 : memref<!tpu.dma_semaphore, #tpu.memory_space<semaphore_mem>>) src(%dma_wait3A_166 : memref<10000x128xf32, #tpu.memory_space<hbm>>) dst(%arg10 : memref<125x128xf32, #tpu.memory_space<vmem>>)
      %dma_start3A_167 = arith.constant 5 : i32
      %dma_start3A_168 = arith.constant 0 : i32
      %dma_start3A_169 = tpu.memref_slice %arg8[%dma_start3A_167, %dma_start3A_168] : memref<8x125xi32, #tpu.memory_space<vmem>> -> memref<1x125xi32, #tpu.memory_space<vmem>>
      %dma_start3A_170 = tpu.memref_squeeze %dma_start3A_169 : memref<1x125xi32, #tpu.memory_space<vmem>> -> memref<125xi32, #tpu.memory_space<vmem>>
      %dma_start3A_171 = arith.constant 0 : i32
      %dma_start3A_172 = arith.constant 0 : i32
      %dma_start3A_173 = tpu.memref_slice %arg11[%dma_start3A_171, %dma_start3A_172] : memref<10240x128xf32, #tpu.memory_space<vmem_shared>> -> memref<10240x128xf32, #tpu.memory_space<vmem_shared>>
      tpu.enqueue_indirect_dma source(%arg10 : memref<125x128xf32, #tpu.memory_space<vmem>>) target(%dma_start3A_173 : memref<10240x128xf32, #tpu.memory_space<vmem_shared>>) offsets(%dma_start3A_170 : memref<125xi32, #tpu.memory_space<vmem>>) semaphore(%arg14 : memref<!tpu.dma_semaphore, #tpu.memory_space<semaphore_mem>>) {add = true}
      %dma_wait3A_174 = arith.constant 4 : i32
      %dma_wait3A_175 = arith.constant 0 : i32
      %dma_wait3A_176 = tpu.memref_slice %arg8[%dma_wait3A_174, %dma_wait3A_175] : memref<8x125xi32, #tpu.memory_space<vmem>> -> memref<1x125xi32, #tpu.memory_space<vmem>>
      %dma_wait3A_177 = tpu.memref_squeeze %dma_wait3A_176 : memref<1x125xi32, #tpu.memory_space<vmem>> -> memref<125xi32, #tpu.memory_space<vmem>>
      %dma_wait3A_178 = arith.constant 0 : i32
      %dma_wait3A_179 = arith.constant 0 : i32
      %dma_wait3A_180 = tpu.memref_slice %arg11[%dma_wait3A_178, %dma_wait3A_179] : memref<10240x128xf32, #tpu.memory_space<vmem_shared>> -> memref<10240x128xf32, #tpu.memory_space<vmem_shared>>
      tpu.wait_indirect_dma semaphore(%arg13 : memref<!tpu.dma_semaphore, #tpu.memory_space<semaphore_mem>>) src(%arg9 : memref<125x128xf32, #tpu.memory_space<vmem>>) dst(%dma_wait3A_180 : memref<10240x128xf32, #tpu.memory_space<vmem_shared>>)
      %add3A_181 = arith.constant 1 : i32
      %add3A_182 = arith.addi %add3A_147, %add3A_181 : i32
      %dma_start3A_183 = arith.constant 0 : i32
      %dma_start3A_184 = tpu.memref_slice %arg7[%add3A_182, %dma_start3A_183] : memref<80x125xi32, #tpu.memory_space<vmem>> -> memref<1x125xi32, #tpu.memory_space<vmem>>
      %dma_start3A_185 = tpu.memref_squeeze %dma_start3A_184 : memref<1x125xi32, #tpu.memory_space<vmem>> -> memref<125xi32, #tpu.memory_space<vmem>>
      %dma_start3A_186 = arith.constant 0 : i32
      %dma_start3A_187 = arith.constant 0 : i32
      %dma_start3A_188 = tpu.memref_slice %arg2[%dma_start3A_186, %dma_start3A_187] : memref<10000x128xf32, #tpu.memory_space<hbm>> -> memref<10000x128xf32, #tpu.memory_space<hbm>>
      tpu.enqueue_indirect_dma source(%dma_start3A_188 : memref<10000x128xf32, #tpu.memory_space<hbm>>) target(%arg9 : memref<125x128xf32, #tpu.memory_space<vmem>>) offsets(%dma_start3A_185 : memref<125xi32, #tpu.memory_space<vmem>>) semaphore(%arg12 : memref<!tpu.dma_semaphore, #tpu.memory_space<semaphore_mem>>)
      %dma_wait3A_189 = arith.constant 0 : i32
      %dma_wait3A_190 = tpu.memref_slice %arg7[%add3A_182, %dma_wait3A_189] : memref<80x125xi32, #tpu.memory_space<vmem>> -> memref<1x125xi32, #tpu.memory_space<vmem>>
      %dma_wait3A_191 = tpu.memref_squeeze %dma_wait3A_190 : memref<1x125xi32, #tpu.memory_space<vmem>> -> memref<125xi32, #tpu.memory_space<vmem>>
      %dma_wait3A_192 = arith.constant 0 : i32
      %dma_wait3A_193 = arith.constant 0 : i32
      %dma_wait3A_194 = tpu.memref_slice %arg2[%dma_wait3A_192, %dma_wait3A_193] : memref<10000x128xf32, #tpu.memory_space<hbm>> -> memref<10000x128xf32, #tpu.memory_space<hbm>>
      tpu.wait_indirect_dma semaphore(%arg12 : memref<!tpu.dma_semaphore, #tpu.memory_space<semaphore_mem>>) src(%dma_wait3A_194 : memref<10000x128xf32, #tpu.memory_space<hbm>>) dst(%arg9 : memref<125x128xf32, #tpu.memory_space<vmem>>)
      %dma_wait3A_195 = arith.constant 5 : i32
      %dma_wait3A_196 = arith.constant 0 : i32
      %dma_wait3A_197 = tpu.memref_slice %arg8[%dma_wait3A_195, %dma_wait3A_196] : memref<8x125xi32, #tpu.memory_space<vmem>> -> memref<1x125xi32, #tpu.memory_space<vmem>>
      %dma_wait3A_198 = tpu.memref_squeeze %dma_wait3A_197 : memref<1x125xi32, #tpu.memory_space<vmem>> -> memref<125xi32, #tpu.memory_space<vmem>>
      %dma_wait3A_199 = arith.constant 0 : i32
      %dma_wait3A_200 = arith.constant 0 : i32
      %dma_wait3A_201 = tpu.memref_slice %arg11[%dma_wait3A_199, %dma_wait3A_200] : memref<10240x128xf32, #tpu.memory_space<vmem_shared>> -> memref<10240x128xf32, #tpu.memory_space<vmem_shared>>
      tpu.wait_indirect_dma semaphore(%arg14 : memref<!tpu.dma_semaphore, #tpu.memory_space<semaphore_mem>>) src(%arg10 : memref<125x128xf32, #tpu.memory_space<vmem>>) dst(%dma_wait3A_201 : memref<10240x128xf32, #tpu.memory_space<vmem_shared>>)
      %add3A_202 = arith.constant 6 : i32
      %add3A_203 = arith.addi %mul3A_27, %add3A_202 : i32
      %add3A_204 = arith.constant 1 : i32
      %add3A_205 = arith.addi %add3A_203, %add3A_204 : i32
      %dma_start3A_206 = arith.constant 6 : i32
      %dma_start3A_207 = arith.constant 0 : i32
      %dma_start3A_208 = tpu.memref_slice %arg8[%dma_start3A_206, %dma_start3A_207] : memref<8x125xi32, #tpu.memory_space<vmem>> -> memref<1x125xi32, #tpu.memory_space<vmem>>
      %dma_start3A_209 = tpu.memref_squeeze %dma_start3A_208 : memref<1x125xi32, #tpu.memory_space<vmem>> -> memref<125xi32, #tpu.memory_space<vmem>>
      %dma_start3A_210 = arith.constant 0 : i32
      %dma_start3A_211 = arith.constant 0 : i32
      %dma_start3A_212 = tpu.memref_slice %arg11[%dma_start3A_210, %dma_start3A_211] : memref<10240x128xf32, #tpu.memory_space<vmem_shared>> -> memref<10240x128xf32, #tpu.memory_space<vmem_shared>>
      tpu.enqueue_indirect_dma source(%arg9 : memref<125x128xf32, #tpu.memory_space<vmem>>) target(%dma_start3A_212 : memref<10240x128xf32, #tpu.memory_space<vmem_shared>>) offsets(%dma_start3A_209 : memref<125xi32, #tpu.memory_space<vmem>>) semaphore(%arg13 : memref<!tpu.dma_semaphore, #tpu.memory_space<semaphore_mem>>) {add = true}
      %dma_start3A_213 = arith.constant 0 : i32
      %dma_start3A_214 = tpu.memref_slice %arg7[%add3A_205, %dma_start3A_213] : memref<80x125xi32, #tpu.memory_space<vmem>> -> memref<1x125xi32, #tpu.memory_space<vmem>>
      %dma_start3A_215 = tpu.memref_squeeze %dma_start3A_214 : memref<1x125xi32, #tpu.memory_space<vmem>> -> memref<125xi32, #tpu.memory_space<vmem>>
      %dma_start3A_216 = arith.constant 0 : i32
      %dma_start3A_217 = arith.constant 0 : i32
      %dma_start3A_218 = tpu.memref_slice %arg2[%dma_start3A_216, %dma_start3A_217] : memref<10000x128xf32, #tpu.memory_space<hbm>> -> memref<10000x128xf32, #tpu.memory_space<hbm>>
      tpu.enqueue_indirect_dma source(%dma_start3A_218 : memref<10000x128xf32, #tpu.memory_space<hbm>>) target(%arg10 : memref<125x128xf32, #tpu.memory_space<vmem>>) offsets(%dma_start3A_215 : memref<125xi32, #tpu.memory_space<vmem>>) semaphore(%arg12 : memref<!tpu.dma_semaphore, #tpu.memory_space<semaphore_mem>>)
      %dma_wait3A_219 = arith.constant 0 : i32
      %dma_wait3A_220 = tpu.memref_slice %arg7[%add3A_205, %dma_wait3A_219] : memref<80x125xi32, #tpu.memory_space<vmem>> -> memref<1x125xi32, #tpu.memory_space<vmem>>
      %dma_wait3A_221 = tpu.memref_squeeze %dma_wait3A_220 : memref<1x125xi32, #tpu.memory_space<vmem>> -> memref<125xi32, #tpu.memory_space<vmem>>
      %dma_wait3A_222 = arith.constant 0 : i32
      %dma_wait3A_223 = arith.constant 0 : i32
      %dma_wait3A_224 = tpu.memref_slice %arg2[%dma_wait3A_222, %dma_wait3A_223] : memref<10000x128xf32, #tpu.memory_space<hbm>> -> memref<10000x128xf32, #tpu.memory_space<hbm>>
      tpu.wait_indirect_dma semaphore(%arg12 : memref<!tpu.dma_semaphore, #tpu.memory_space<semaphore_mem>>) src(%dma_wait3A_224 : memref<10000x128xf32, #tpu.memory_space<hbm>>) dst(%arg10 : memref<125x128xf32, #tpu.memory_space<vmem>>)
      %dma_start3A_225 = arith.constant 7 : i32
      %dma_start3A_226 = arith.constant 0 : i32
      %dma_start3A_227 = tpu.memref_slice %arg8[%dma_start3A_225, %dma_start3A_226] : memref<8x125xi32, #tpu.memory_space<vmem>> -> memref<1x125xi32, #tpu.memory_space<vmem>>
      %dma_start3A_228 = tpu.memref_squeeze %dma_start3A_227 : memref<1x125xi32, #tpu.memory_space<vmem>> -> memref<125xi32, #tpu.memory_space<vmem>>
      %dma_start3A_229 = arith.constant 0 : i32
      %dma_start3A_230 = arith.constant 0 : i32
      %dma_start3A_231 = tpu.memref_slice %arg11[%dma_start3A_229, %dma_start3A_230] : memref<10240x128xf32, #tpu.memory_space<vmem_shared>> -> memref<10240x128xf32, #tpu.memory_space<vmem_shared>>
      tpu.enqueue_indirect_dma source(%arg10 : memref<125x128xf32, #tpu.memory_space<vmem>>) target(%dma_start3A_231 : memref<10240x128xf32, #tpu.memory_space<vmem_shared>>) offsets(%dma_start3A_228 : memref<125xi32, #tpu.memory_space<vmem>>) semaphore(%arg14 : memref<!tpu.dma_semaphore, #tpu.memory_space<semaphore_mem>>) {add = true}
      %dma_wait3A_232 = arith.constant 6 : i32
      %dma_wait3A_233 = arith.constant 0 : i32
      %dma_wait3A_234 = tpu.memref_slice %arg8[%dma_wait3A_232, %dma_wait3A_233] : memref<8x125xi32, #tpu.memory_space<vmem>> -> memref<1x125xi32, #tpu.memory_space<vmem>>
      %dma_wait3A_235 = tpu.memref_squeeze %dma_wait3A_234 : memref<1x125xi32, #tpu.memory_space<vmem>> -> memref<125xi32, #tpu.memory_space<vmem>>
      %dma_wait3A_236 = arith.constant 0 : i32
      %dma_wait3A_237 = arith.constant 0 : i32
      %dma_wait3A_238 = tpu.memref_slice %arg11[%dma_wait3A_236, %dma_wait3A_237] : memref<10240x128xf32, #tpu.memory_space<vmem_shared>> -> memref<10240x128xf32, #tpu.memory_space<vmem_shared>>
      tpu.wait_indirect_dma semaphore(%arg13 : memref<!tpu.dma_semaphore, #tpu.memory_space<semaphore_mem>>) src(%arg9 : memref<125x128xf32, #tpu.memory_space<vmem>>) dst(%dma_wait3A_238 : memref<10240x128xf32, #tpu.memory_space<vmem_shared>>)
      %lt3A = arith.constant 9 : i32
      %lt3A_239 = arith.cmpi slt, %scan3A_25, %lt3A : i32
      %convert_element_type3A = arith.extui %lt3A_239 : i1 to i32
      %cond3A = arith.constant 0 : i32
      %cond3A_240 = arith.cmpi ne, %convert_element_type3A, %cond3A : i32
      scf.if %cond3A_240 {
        %add3A_248 = arith.constant 1 : i32
        %add3A_249 = arith.addi %add3A_205, %add3A_248 : i32
        %dma_start3A_250 = arith.constant 0 : i32
        %dma_start3A_251 = tpu.memref_slice %arg7[%add3A_249, %dma_start3A_250] : memref<80x125xi32, #tpu.memory_space<vmem>> -> memref<1x125xi32, #tpu.memory_space<vmem>>
        %dma_start3A_252 = tpu.memref_squeeze %dma_start3A_251 : memref<1x125xi32, #tpu.memory_space<vmem>> -> memref<125xi32, #tpu.memory_space<vmem>>
        %dma_start3A_253 = arith.constant 0 : i32
        %dma_start3A_254 = arith.constant 0 : i32
        %dma_start3A_255 = tpu.memref_slice %arg2[%dma_start3A_253, %dma_start3A_254] : memref<10000x128xf32, #tpu.memory_space<hbm>> -> memref<10000x128xf32, #tpu.memory_space<hbm>>
        tpu.enqueue_indirect_dma source(%dma_start3A_255 : memref<10000x128xf32, #tpu.memory_space<hbm>>) target(%arg9 : memref<125x128xf32, #tpu.memory_space<vmem>>) offsets(%dma_start3A_252 : memref<125xi32, #tpu.memory_space<vmem>>) semaphore(%arg12 : memref<!tpu.dma_semaphore, #tpu.memory_space<semaphore_mem>>)
        %dma_wait3A_256 = arith.constant 0 : i32
        %dma_wait3A_257 = tpu.memref_slice %arg7[%add3A_249, %dma_wait3A_256] : memref<80x125xi32, #tpu.memory_space<vmem>> -> memref<1x125xi32, #tpu.memory_space<vmem>>
        %dma_wait3A_258 = tpu.memref_squeeze %dma_wait3A_257 : memref<1x125xi32, #tpu.memory_space<vmem>> -> memref<125xi32, #tpu.memory_space<vmem>>
        %dma_wait3A_259 = arith.constant 0 : i32
        %dma_wait3A_260 = arith.constant 0 : i32
        %dma_wait3A_261 = tpu.memref_slice %arg2[%dma_wait3A_259, %dma_wait3A_260] : memref<10000x128xf32, #tpu.memory_space<hbm>> -> memref<10000x128xf32, #tpu.memory_space<hbm>>
        tpu.wait_indirect_dma semaphore(%arg12 : memref<!tpu.dma_semaphore, #tpu.memory_space<semaphore_mem>>) src(%dma_wait3A_261 : memref<10000x128xf32, #tpu.memory_space<hbm>>) dst(%arg9 : memref<125x128xf32, #tpu.memory_space<vmem>>)
      } else {
      }
      %dma_wait3A_241 = arith.constant 7 : i32
      %dma_wait3A_242 = arith.constant 0 : i32
      %dma_wait3A_243 = tpu.memref_slice %arg8[%dma_wait3A_241, %dma_wait3A_242] : memref<8x125xi32, #tpu.memory_space<vmem>> -> memref<1x125xi32, #tpu.memory_space<vmem>>
      %dma_wait3A_244 = tpu.memref_squeeze %dma_wait3A_243 : memref<1x125xi32, #tpu.memory_space<vmem>> -> memref<125xi32, #tpu.memory_space<vmem>>
      %dma_wait3A_245 = arith.constant 0 : i32
      %dma_wait3A_246 = arith.constant 0 : i32
      %dma_wait3A_247 = tpu.memref_slice %arg11[%dma_wait3A_245, %dma_wait3A_246] : memref<10240x128xf32, #tpu.memory_space<vmem_shared>> -> memref<10240x128xf32, #tpu.memory_space<vmem_shared>>
      tpu.wait_indirect_dma semaphore(%arg14 : memref<!tpu.dma_semaphore, #tpu.memory_space<semaphore_mem>>) src(%arg10 : memref<125x128xf32, #tpu.memory_space<vmem>>) dst(%dma_wait3A_247 : memref<10240x128xf32, #tpu.memory_space<vmem_shared>>)
    }
    %scan3A_19 = arith.constant 10 : i32
    %barrier3A_20 = arith.constant 0 : index
    tpu.barrier barrier_id(%barrier3A_20)
    %mul3A_21 = arith.constant 640 : i32
    %mul3A_22 = arith.muli %arg1, %mul3A_21 : i32
    %mul3A_23 = arith.constant 640 : i32
    %mul3A_24 = arith.muli %arg1, %mul3A_23 : i32
    "tpu.region"() ({
      %run_scoped3A = tpu.sem_alloc : memref<!tpu.dma_semaphore, #tpu.memory_space<semaphore_mem>>
      %dma_start3A_25 = arith.constant 0 : i32
      %dma_start3A_26 = tpu.memref_slice %arg6[%arg0, %mul3A_24, %dma_start3A_25] : memref<2x10240x128xf32, #tpu.memory_space<hbm>> -> memref<1x640x128xf32, #tpu.memory_space<hbm>>
      %dma_start3A_27 = tpu.memref_squeeze %dma_start3A_26 : memref<1x640x128xf32, #tpu.memory_space<hbm>> -> memref<640x128xf32, #tpu.memory_space<hbm>>
      %dma_start3A_28 = arith.constant 0 : i32
      %dma_start3A_29 = tpu.memref_slice %arg11[%mul3A_22, %dma_start3A_28] : memref<10240x128xf32, #tpu.memory_space<vmem_shared>> -> memref<640x128xf32, #tpu.memory_space<vmem_shared>>
      tpu.enqueue_dma source(%dma_start3A_29 : memref<640x128xf32, #tpu.memory_space<vmem_shared>>) target(%dma_start3A_27 : memref<640x128xf32, #tpu.memory_space<hbm>>) target_semaphore(%run_scoped3A : memref<!tpu.dma_semaphore, #tpu.memory_space<semaphore_mem>>)
      %dma_wait3A_30 = arith.constant 0 : i32
      %dma_wait3A_31 = tpu.memref_slice %arg6[%arg0, %mul3A_24, %dma_wait3A_30] : memref<2x10240x128xf32, #tpu.memory_space<hbm>> -> memref<1x640x128xf32, #tpu.memory_space<hbm>>
      %dma_wait3A_32 = tpu.memref_squeeze %dma_wait3A_31 : memref<1x640x128xf32, #tpu.memory_space<hbm>> -> memref<640x128xf32, #tpu.memory_space<hbm>>
      %dma_wait3A_33 = arith.constant 0 : i32
      %dma_wait3A_34 = tpu.memref_slice %arg11[%mul3A_22, %dma_wait3A_33] : memref<10240x128xf32, #tpu.memory_space<vmem_shared>> -> memref<640x128xf32, #tpu.memory_space<vmem_shared>>
      tpu.wait_dma2 semaphore(%run_scoped3A : memref<!tpu.dma_semaphore, #tpu.memory_space<semaphore_mem>>) src(%dma_wait3A_34 : memref<640x128xf32, #tpu.memory_space<vmem_shared>>) dst(%dma_wait3A_32 : memref<640x128xf32, #tpu.memory_space<hbm>>)
      tpu.yield
    }) : () -> ()
    return
  }
}

module attributes {stable_mosaic.version = 14 : i64} {
  func.func @_tc_pre_body(%arg0: memref<10000x128xf32, #tpu.memory_space<vmem>>, %arg1: memref<128x128xf32, #tpu.memory_space<vmem>>, %arg2: memref<128xf32, #tpu.memory_space<vmem>>, %arg3: memref<2x10240x128xf32, #tpu.memory_space<vmem>>, %arg4: memref<10000x128xf32, #tpu.memory_space<vmem>>, %arg5: memref<10000x128xf32, #tpu.memory_space<vmem>>) attributes {dimension_semantics = [], scalar_prefetch = 0 : i64, scratch_operands = 0 : i64, tpu.core_type = #tpu.core_type<tc>} {
    %get3A = arith.constant 0 : index
    %get3A_0 = vector.load %arg2[%get3A] : memref<128xf32, #tpu.memory_space<vmem>>, vector<128xf32>
    %sqrt3A = arith.constant 1.000010e+00 : f32
    %sqrt3A_1 = math.sqrt %sqrt3A : f32
    %div3A = arith.constant 1.000000e+00 : f32
    %div3A_2 = arith.divf %div3A, %sqrt3A_1 : f32
    %mul3A = vector.broadcast %div3A_2 : f32 to vector<128xf32>
    %mul3A_3 = arith.mulf %get3A_0, %mul3A : vector<128xf32>
    %get3A_4 = arith.constant 0 : index
    %get3A_5 = arith.constant 0 : index
    %get3A_6 = vector.load %arg1[%get3A_4, %get3A_5] : memref<128x128xf32, #tpu.memory_space<vmem>>, vector<128x128xf32>
    %broadcast_in_dim3A = vector.shape_cast %mul3A_3 : vector<128xf32> to vector<1x128xf32>
    %mul3A_7 = vector.broadcast %broadcast_in_dim3A : vector<1x128xf32> to vector<128x128xf32>
    %mul3A_8 = arith.mulf %get3A_6, %mul3A_7 : vector<128x128xf32>
    %get3A_9 = arith.constant 0 : index
    %get3A_10 = arith.constant 0 : index
    %get3A_11 = vector.load %arg0[%get3A_9, %get3A_10] : memref<10000x128xf32, #tpu.memory_space<vmem>>, vector<10000x128xf32>
    %dot_general3A = arith.constant dense<0.000000e+00> : vector<10000x128xf32>
    %dot_general3A_12 = tpu.matmul %get3A_11, %mul3A_8, %dot_general3A {dimension_numbers = #tpu.dot_dimension_numbers<[1], [0], [0], [1], [0, 0, 1, 1], [], []>, transpose_lhs_hint = false} : vector<10000x128xf32>, vector<128x128xf32>, vector<10000x128xf32> -> vector<10000x128xf32>
    %get3A_13 = arith.constant 0 : index
    %get3A_14 = arith.constant 0 : index
    %get3A_15 = arith.constant 0 : index
    %get3A_16 = vector.load %arg3[%get3A_13, %get3A_14, %get3A_15] : memref<2x10240x128xf32, #tpu.memory_space<vmem>>, vector<2x10240x128xf32>
    %slice3A = vector.extract_strided_slice %get3A_16 {offsets = [0, 0, 0], sizes = [1, 10000, 1], strides = [1, 1, 1]} : vector<2x10240x128xf32> to vector<1x10000x1xf32>
    %squeeze3A = vector.shape_cast %slice3A : vector<1x10000x1xf32> to vector<10000x1xf32>
    %slice3A_17 = vector.extract_strided_slice %get3A_16 {offsets = [1, 0, 0], sizes = [1, 10000, 1], strides = [1, 1, 1]} : vector<2x10240x128xf32> to vector<1x10000x1xf32>
    %squeeze3A_18 = vector.shape_cast %slice3A_17 : vector<1x10000x1xf32> to vector<10000x1xf32>
    %add3A = arith.addf %squeeze3A, %squeeze3A_18 : vector<10000x1xf32>
    %add3A_19 = arith.constant 1.000000e+00 : f32
    %add3A_20 = vector.broadcast %add3A_19 : f32 to vector<10000x1xf32>
    %add3A_21 = arith.addf %add3A, %add3A_20 : vector<10000x1xf32>
    %rsqrt3A = math.rsqrt %add3A_21 : vector<10000x1xf32>
    %swap3A = arith.constant 0 : index
    %swap3A_22 = arith.constant 0 : index
    %swap3A_23 = vector.load %arg4[%swap3A, %swap3A_22] : memref<10000x128xf32, #tpu.memory_space<vmem>>, vector<10000x128xf32>
    tpu.vector_store %arg4[%swap3A, %swap3A_22], %dot_general3A_12 {strides = array<i32>} : memref<10000x128xf32, #tpu.memory_space<vmem>>, vector<10000x128xf32>,
    %mul3A_24 = vector.broadcast %rsqrt3A : vector<10000x1xf32> to vector<10000x128xf32>
    %mul3A_25 = arith.mulf %dot_general3A_12, %mul3A_24 : vector<10000x128xf32>
    %swap3A_26 = arith.constant 0 : index
    %swap3A_27 = arith.constant 0 : index
    %swap3A_28 = vector.load %arg5[%swap3A_26, %swap3A_27] : memref<10000x128xf32, #tpu.memory_space<vmem>>, vector<10000x128xf32>
    tpu.vector_store %arg5[%swap3A_26, %swap3A_27], %mul3A_25 {strides = array<i32>} : memref<10000x128xf32, #tpu.memory_space<vmem>>, vector<10000x128xf32>,
    return
  }
}

module attributes {stable_mosaic.version = 14 : i64} {
  func.func @_tc_mid_body(%arg0: memref<2x10240x128xf32, #tpu.memory_space<vmem>>, %arg1: memref<10000x128xf32, #tpu.memory_space<vmem>>, %arg2: memref<2x10240x128xf32, #tpu.memory_space<vmem>>, %arg3: memref<128x128xf32, #tpu.memory_space<vmem>>, %arg4: memref<128xf32, #tpu.memory_space<vmem>>, %arg5: memref<128xf32, #tpu.memory_space<vmem>>, %arg6: memref<128xf32, #tpu.memory_space<vmem>>, %arg7: memref<10000x128xf32, #tpu.memory_space<vmem>>, %arg8: memref<10000x128xf32, #tpu.memory_space<vmem>>) attributes {dimension_semantics = [], scalar_prefetch = 0 : i64, scratch_operands = 0 : i64, tpu.core_type = #tpu.core_type<tc>} {
    %get3A = arith.constant 0 : index
    %get3A_0 = arith.constant 0 : index
    %get3A_1 = arith.constant 0 : index
    %get3A_2 = vector.load %arg2[%get3A, %get3A_0, %get3A_1] : memref<2x10240x128xf32, #tpu.memory_space<vmem>>, vector<2x10240x128xf32>
    %slice3A = vector.extract_strided_slice %get3A_2 {offsets = [0, 0, 0], sizes = [1, 10000, 1], strides = [1, 1, 1]} : vector<2x10240x128xf32> to vector<1x10000x1xf32>
    %squeeze3A = vector.shape_cast %slice3A : vector<1x10000x1xf32> to vector<10000x1xf32>
    %slice3A_3 = vector.extract_strided_slice %get3A_2 {offsets = [1, 0, 0], sizes = [1, 10000, 1], strides = [1, 1, 1]} : vector<2x10240x128xf32> to vector<1x10000x1xf32>
    %squeeze3A_4 = vector.shape_cast %slice3A_3 : vector<1x10000x1xf32> to vector<10000x1xf32>
    %add3A = arith.addf %squeeze3A, %squeeze3A_4 : vector<10000x1xf32>
    %add3A_5 = arith.constant 1.000000e+00 : f32
    %add3A_6 = vector.broadcast %add3A_5 : f32 to vector<10000x1xf32>
    %add3A_7 = arith.addf %add3A, %add3A_6 : vector<10000x1xf32>
    %rsqrt3A = math.rsqrt %add3A_7 : vector<10000x1xf32>
    %get3A_8 = arith.constant 0 : index
    %get3A_9 = vector.load %arg5[%get3A_8] : memref<128xf32, #tpu.memory_space<vmem>>, vector<128xf32>
    %sqrt3A = arith.constant 1.000010e+00 : f32
    %sqrt3A_10 = math.sqrt %sqrt3A : f32
    %div3A = arith.constant 1.000000e+00 : f32
    %div3A_11 = arith.divf %div3A, %sqrt3A_10 : f32
    %mul3A = vector.broadcast %div3A_11 : f32 to vector<128xf32>
    %mul3A_12 = arith.mulf %get3A_9, %mul3A : vector<128xf32>
    %get3A_13 = arith.constant 0 : index
    %get3A_14 = vector.load %arg4[%get3A_13] : memref<128xf32, #tpu.memory_space<vmem>>, vector<128xf32>
    %mul3A_15 = arith.mulf %get3A_14, %mul3A_12 : vector<128xf32>
    %get3A_16 = arith.constant 0 : index
    %get3A_17 = vector.load %arg6[%get3A_16] : memref<128xf32, #tpu.memory_space<vmem>>, vector<128xf32>
    %add3A_18 = arith.addf %mul3A_15, %get3A_17 : vector<128xf32>
    %get3A_19 = arith.constant 0 : index
    %get3A_20 = arith.constant 0 : index
    %get3A_21 = arith.constant 0 : index
    %get3A_22 = vector.load %arg0[%get3A_19, %get3A_20, %get3A_21] : memref<2x10240x128xf32, #tpu.memory_space<vmem>>, vector<1x10000x128xf32>
    %get3A_23 = vector.shape_cast %get3A_22 : vector<1x10000x128xf32> to vector<10000x128xf32>
    %get3A_24 = arith.constant 1 : index
    %get3A_25 = arith.constant 0 : index
    %get3A_26 = arith.constant 0 : index
    %get3A_27 = vector.load %arg0[%get3A_24, %get3A_25, %get3A_26] : memref<2x10240x128xf32, #tpu.memory_space<vmem>>, vector<1x10000x128xf32>
    %get3A_28 = vector.shape_cast %get3A_27 : vector<1x10000x128xf32> to vector<10000x128xf32>
    %add3A_29 = arith.addf %get3A_23, %get3A_28 : vector<10000x128xf32>
    %mul3A_30 = vector.broadcast %rsqrt3A : vector<10000x1xf32> to vector<10000x128xf32>
    %mul3A_31 = arith.mulf %mul3A_30, %add3A_29 : vector<10000x128xf32>
    %mul3A_32 = arith.mulf %rsqrt3A, %rsqrt3A : vector<10000x1xf32>
    %get3A_33 = arith.constant 0 : index
    %get3A_34 = arith.constant 0 : index
    %get3A_35 = vector.load %arg1[%get3A_33, %get3A_34] : memref<10000x128xf32, #tpu.memory_space<vmem>>, vector<10000x128xf32>
    %mul3A_36 = vector.broadcast %mul3A_32 : vector<10000x1xf32> to vector<10000x128xf32>
    %mul3A_37 = arith.mulf %mul3A_36, %get3A_35 : vector<10000x128xf32>
    %add3A_38 = arith.addf %mul3A_31, %mul3A_37 : vector<10000x128xf32>
    %broadcast_in_dim3A = vector.shape_cast %add3A_18 : vector<128xf32> to vector<1x128xf32>
    %add3A_39 = vector.broadcast %broadcast_in_dim3A : vector<1x128xf32> to vector<10000x128xf32>
    %add3A_40 = arith.addf %add3A_38, %add3A_39 : vector<10000x128xf32>
    %max3A = arith.constant 0.000000e+00 : f32
    %max3A_41 = vector.broadcast %max3A : f32 to vector<10000x128xf32>
    %max3A_42 = arith.maximumf %add3A_40, %max3A_41 : vector<10000x128xf32>
    %get3A_43 = arith.constant 0 : index
    %get3A_44 = arith.constant 0 : index
    %get3A_45 = vector.load %arg3[%get3A_43, %get3A_44] : memref<128x128xf32, #tpu.memory_space<vmem>>, vector<128x128xf32>
    %dot_general3A = arith.constant dense<0.000000e+00> : vector<10000x128xf32>
    %dot_general3A_46 = tpu.matmul %max3A_42, %get3A_45, %dot_general3A {dimension_numbers = #tpu.dot_dimension_numbers<[1], [0], [0], [1], [0, 0, 1, 1], [], []>, transpose_lhs_hint = false} : vector<10000x128xf32>, vector<128x128xf32>, vector<10000x128xf32> -> vector<10000x128xf32>
    %swap3A = arith.constant 0 : index
    %swap3A_47 = arith.constant 0 : index
    %swap3A_48 = vector.load %arg7[%swap3A, %swap3A_47] : memref<10000x128xf32, #tpu.memory_space<vmem>>, vector<10000x128xf32>
    tpu.vector_store %arg7[%swap3A, %swap3A_47], %dot_general3A_46 {strides = array<i32>} : memref<10000x128xf32, #tpu.memory_space<vmem>>, vector<10000x128xf32>,
    %mul3A_49 = vector.broadcast %rsqrt3A : vector<10000x1xf32> to vector<10000x128xf32>
    %mul3A_50 = arith.mulf %dot_general3A_46, %mul3A_49 : vector<10000x128xf32>
    %swap3A_51 = arith.constant 0 : index
    %swap3A_52 = arith.constant 0 : index
    %swap3A_53 = vector.load %arg8[%swap3A_51, %swap3A_52] : memref<10000x128xf32, #tpu.memory_space<vmem>>, vector<10000x128xf32>
    tpu.vector_store %arg8[%swap3A_51, %swap3A_52], %mul3A_50 {strides = array<i32>} : memref<10000x128xf32, #tpu.memory_space<vmem>>, vector<10000x128xf32>,
    return
  }
}

module attributes {stable_mosaic.version = 14 : i64} {
  func.func @_tc_post_body(%arg0: memref<2x10240x128xf32, #tpu.memory_space<vmem>>, %arg1: memref<10000x128xf32, #tpu.memory_space<vmem>>, %arg2: memref<2x10240x128xf32, #tpu.memory_space<vmem>>, %arg3: memref<128xf32, #tpu.memory_space<vmem>>, %arg4: memref<1x10000xi32, #tpu.memory_space<vmem>>, %arg5: memref<128x128xf32, #tpu.memory_space<vmem>>, %arg6: memref<128xf32, #tpu.memory_space<vmem>>, %arg7: memref<128xf32, #tpu.memory_space<vmem>>, %arg8: memref<128xf32, #tpu.memory_space<vmem>>, %arg9: memref<128x16xf32, #tpu.memory_space<vmem>>, %arg10: memref<16xf32, #tpu.memory_space<vmem>>, %arg11: memref<64x16xf32, #tpu.memory_space<vmem>>, %arg12: memref<64x128xf32, #tpu.memory_space<vmem>>) attributes {dimension_semantics = [], scalar_prefetch = 0 : i64, scratch_operands = 0 : i64, tpu.core_type = #tpu.core_type<tc>} {
    %get3A = arith.constant 0 : index
    %get3A_0 = arith.constant 0 : index
    %get3A_1 = arith.constant 0 : index
    %get3A_2 = vector.load %arg2[%get3A, %get3A_0, %get3A_1] : memref<2x10240x128xf32, #tpu.memory_space<vmem>>, vector<2x10240x128xf32>
    %slice3A = vector.extract_strided_slice %get3A_2 {offsets = [0, 0, 0], sizes = [1, 10000, 1], strides = [1, 1, 1]} : vector<2x10240x128xf32> to vector<1x10000x1xf32>
    %squeeze3A = vector.shape_cast %slice3A : vector<1x10000x1xf32> to vector<10000x1xf32>
    %slice3A_3 = vector.extract_strided_slice %get3A_2 {offsets = [1, 0, 0], sizes = [1, 10000, 1], strides = [1, 1, 1]} : vector<2x10240x128xf32> to vector<1x10000x1xf32>
    %squeeze3A_4 = vector.shape_cast %slice3A_3 : vector<1x10000x1xf32> to vector<10000x1xf32>
    %add3A = arith.addf %squeeze3A, %squeeze3A_4 : vector<10000x1xf32>
    %add3A_5 = arith.constant 1.000000e+00 : f32
    %add3A_6 = vector.broadcast %add3A_5 : f32 to vector<10000x1xf32>
    %add3A_7 = arith.addf %add3A, %add3A_6 : vector<10000x1xf32>
    %rsqrt3A = math.rsqrt %add3A_7 : vector<10000x1xf32>
    %get3A_8 = arith.constant 0 : index
    %get3A_9 = arith.constant 0 : index
    %get3A_10 = arith.constant 0 : index
    %get3A_11 = vector.load %arg0[%get3A_8, %get3A_9, %get3A_10] : memref<2x10240x128xf32, #tpu.memory_space<vmem>>, vector<1x10000x128xf32>
    %get3A_12 = vector.shape_cast %get3A_11 : vector<1x10000x128xf32> to vector<10000x128xf32>
    %get3A_13 = arith.constant 1 : index
    %get3A_14 = arith.constant 0 : index
    %get3A_15 = arith.constant 0 : index
    %get3A_16 = vector.load %arg0[%get3A_13, %get3A_14, %get3A_15] : memref<2x10240x128xf32, #tpu.memory_space<vmem>>, vector<1x10000x128xf32>
    %get3A_17 = vector.shape_cast %get3A_16 : vector<1x10000x128xf32> to vector<10000x128xf32>
    %add3A_18 = arith.addf %get3A_12, %get3A_17 : vector<10000x128xf32>
    %mul3A = vector.broadcast %rsqrt3A : vector<10000x1xf32> to vector<10000x128xf32>
    %mul3A_19 = arith.mulf %mul3A, %add3A_18 : vector<10000x128xf32>
    %mul3A_20 = arith.mulf %rsqrt3A, %rsqrt3A : vector<10000x1xf32>
    %get3A_21 = arith.constant 0 : index
    %get3A_22 = arith.constant 0 : index
    %get3A_23 = vector.load %arg1[%get3A_21, %get3A_22] : memref<10000x128xf32, #tpu.memory_space<vmem>>, vector<10000x128xf32>
    %mul3A_24 = vector.broadcast %mul3A_20 : vector<10000x1xf32> to vector<10000x128xf32>
    %mul3A_25 = arith.mulf %mul3A_24, %get3A_23 : vector<10000x128xf32>
    %add3A_26 = arith.addf %mul3A_19, %mul3A_25 : vector<10000x128xf32>
    %get3A_27 = arith.constant 0 : index
    %get3A_28 = vector.load %arg3[%get3A_27] : memref<128xf32, #tpu.memory_space<vmem>>, vector<128xf32>
    %broadcast_in_dim3A = vector.shape_cast %get3A_28 : vector<128xf32> to vector<1x128xf32>
    %add3A_29 = vector.broadcast %broadcast_in_dim3A : vector<1x128xf32> to vector<10000x128xf32>
    %add3A_30 = arith.addf %add3A_26, %add3A_29 : vector<10000x128xf32>
    %iota3A = tpu.iota {dimensions = array<i32: 0>} : vector<64x10000xi32>
    %get3A_31 = arith.constant 0 : index
    %get3A_32 = arith.constant 0 : index
    %get3A_33 = vector.load %arg4[%get3A_31, %get3A_32] : memref<1x10000xi32, #tpu.memory_space<vmem>>, vector<1x10000xi32>
    %eq3A = vector.broadcast %get3A_33 : vector<1x10000xi32> to vector<64x10000xi32>
    %eq3A_34 = arith.cmpi eq, %iota3A, %eq3A : vector<64x10000xi32>
    %convert_element_type3A = arith.extui %eq3A_34 : vector<64x10000xi1> to vector<64x10000xi32>
    %convert_element_type3A_35 = arith.sitofp %convert_element_type3A : vector<64x10000xi32> to vector<64x10000xf32>
    %reduce_sum3A = arith.constant dense<0.000000e+00> : vector<64xf32>
    %reduce_sum3A_36 = vector.multi_reduction <add>, %convert_element_type3A_35, %reduce_sum3A [1] : vector<64x10000xf32> to vector<64xf32>
    %broadcast_in_dim3A_37 = vector.shape_cast %reduce_sum3A_36 : vector<64xf32> to vector<64x1xf32>
    %dot_general3A = arith.constant dense<0.000000e+00> : vector<64x128xf32>
    %dot_general3A_38 = tpu.matmul %convert_element_type3A_35, %add3A_30, %dot_general3A {dimension_numbers = #tpu.dot_dimension_numbers<[1], [0], [0], [1], [0, 0, 1, 1], [], []>, transpose_lhs_hint = false} : vector<64x10000xf32>, vector<10000x128xf32>, vector<64x128xf32> -> vector<64x128xf32>
    %max3A = arith.constant 1.000000e+00 : f32
    %max3A_39 = vector.broadcast %max3A : f32 to vector<64x1xf32>
    %max3A_40 = arith.maximumf %broadcast_in_dim3A_37, %max3A_39 : vector<64x1xf32>
    %div3A = vector.broadcast %max3A_40 : vector<64x1xf32> to vector<64x128xf32>
    %div3A_41 = arith.divf %dot_general3A_38, %div3A : vector<64x128xf32>
    %mul3A_42 = arith.mulf %div3A_41, %div3A_41 : vector<64x128xf32>
    %reduce_sum3A_43 = arith.constant dense<0.000000e+00> : vector<64xf32>
    %reduce_sum3A_44 = vector.multi_reduction <add>, %mul3A_42, %reduce_sum3A_43 [1] : vector<64x128xf32> to vector<64xf32>
    %broadcast_in_dim3A_45 = vector.shape_cast %reduce_sum3A_44 : vector<64xf32> to vector<64x1xf32>
    %sqrt3A = math.sqrt %broadcast_in_dim3A_45 : vector<64x1xf32>
    %div3A_46 = vector.broadcast %sqrt3A : vector<64x1xf32> to vector<64x128xf32>
    %div3A_47 = arith.divf %div3A_41, %div3A_46 : vector<64x128xf32>
    %get3A_48 = arith.constant 0 : index
    %get3A_49 = vector.load %arg7[%get3A_48] : memref<128xf32, #tpu.memory_space<vmem>>, vector<128xf32>
    %sqrt3A_50 = arith.constant 1.000010e+00 : f32
    %sqrt3A_51 = math.sqrt %sqrt3A_50 : f32
    %div3A_52 = arith.constant 1.000000e+00 : f32
    %div3A_53 = arith.divf %div3A_52, %sqrt3A_51 : f32
    %mul3A_54 = vector.broadcast %div3A_53 : f32 to vector<128xf32>
    %mul3A_55 = arith.mulf %get3A_49, %mul3A_54 : vector<128xf32>
    %get3A_56 = arith.constant 0 : index
    %get3A_57 = arith.constant 0 : index
    %get3A_58 = vector.load %arg5[%get3A_56, %get3A_57] : memref<128x128xf32, #tpu.memory_space<vmem>>, vector<128x128xf32>
    %dot_general3A_59 = arith.constant dense<0.000000e+00> : vector<64x128xf32>
    %dot_general3A_60 = tpu.matmul %div3A_47, %get3A_58, %dot_general3A_59 {dimension_numbers = #tpu.dot_dimension_numbers<[1], [0], [0], [1], [0, 0, 1, 1], [], []>, transpose_lhs_hint = false} : vector<64x128xf32>, vector<128x128xf32>, vector<64x128xf32> -> vector<64x128xf32>
    %get3A_61 = arith.constant 0 : index
    %get3A_62 = vector.load %arg6[%get3A_61] : memref<128xf32, #tpu.memory_space<vmem>>, vector<128xf32>
    %broadcast_in_dim3A_63 = vector.shape_cast %get3A_62 : vector<128xf32> to vector<1x128xf32>
    %add3A_64 = vector.broadcast %broadcast_in_dim3A_63 : vector<1x128xf32> to vector<64x128xf32>
    %add3A_65 = arith.addf %dot_general3A_60, %add3A_64 : vector<64x128xf32>
    %broadcast_in_dim3A_66 = vector.shape_cast %mul3A_55 : vector<128xf32> to vector<1x128xf32>
    %mul3A_67 = vector.broadcast %broadcast_in_dim3A_66 : vector<1x128xf32> to vector<64x128xf32>
    %mul3A_68 = arith.mulf %add3A_65, %mul3A_67 : vector<64x128xf32>
    %get3A_69 = arith.constant 0 : index
    %get3A_70 = vector.load %arg8[%get3A_69] : memref<128xf32, #tpu.memory_space<vmem>>, vector<128xf32>
    %broadcast_in_dim3A_71 = vector.shape_cast %get3A_70 : vector<128xf32> to vector<1x128xf32>
    %add3A_72 = vector.broadcast %broadcast_in_dim3A_71 : vector<1x128xf32> to vector<64x128xf32>
    %add3A_73 = arith.addf %mul3A_68, %add3A_72 : vector<64x128xf32>
    %max3A_74 = arith.constant 0.000000e+00 : f32
    %max3A_75 = vector.broadcast %max3A_74 : f32 to vector<64x128xf32>
    %max3A_76 = arith.maximumf %add3A_73, %max3A_75 : vector<64x128xf32>
    %get3A_77 = arith.constant 0 : index
    %get3A_78 = arith.constant 0 : index
    %get3A_79 = vector.load %arg9[%get3A_77, %get3A_78] : memref<128x16xf32, #tpu.memory_space<vmem>>, vector<128x16xf32>
    %dot_general3A_80 = arith.constant dense<0.000000e+00> : vector<64x16xf32>
    %dot_general3A_81 = tpu.matmul %max3A_76, %get3A_79, %dot_general3A_80 {dimension_numbers = #tpu.dot_dimension_numbers<[1], [0], [0], [1], [0, 0, 1, 1], [], []>, transpose_lhs_hint = false} : vector<64x128xf32>, vector<128x16xf32>, vector<64x16xf32> -> vector<64x16xf32>
    %get3A_82 = arith.constant 0 : index
    %get3A_83 = vector.load %arg10[%get3A_82] : memref<16xf32, #tpu.memory_space<vmem>>, vector<16xf32>
    %broadcast_in_dim3A_84 = vector.shape_cast %get3A_83 : vector<16xf32> to vector<1x16xf32>
    %add3A_85 = vector.broadcast %broadcast_in_dim3A_84 : vector<1x16xf32> to vector<64x16xf32>
    %add3A_86 = arith.addf %dot_general3A_81, %add3A_85 : vector<64x16xf32>
    %reduce_max3A = arith.constant dense<0xFF800000> : vector<64xf32>
    %reduce_max3A_87 = vector.multi_reduction <maximumf>, %add3A_86, %reduce_max3A [1] : vector<64x16xf32> to vector<64xf32>
    %broadcast_in_dim3A_88 = vector.shape_cast %reduce_max3A_87 : vector<64xf32> to vector<64x1xf32>
    %sub3A = vector.broadcast %broadcast_in_dim3A_88 : vector<64x1xf32> to vector<64x16xf32>
    %sub3A_89 = arith.subf %add3A_86, %sub3A : vector<64x16xf32>
    %exp3A = math.exp %sub3A_89 : vector<64x16xf32>
    %reduce_sum3A_90 = arith.constant dense<0.000000e+00> : vector<64xf32>
    %reduce_sum3A_91 = vector.multi_reduction <add>, %exp3A, %reduce_sum3A_90 [1] : vector<64x16xf32> to vector<64xf32>
    %broadcast_in_dim3A_92 = vector.shape_cast %reduce_sum3A_91 : vector<64xf32> to vector<64x1xf32>
    %log3A = math.log %broadcast_in_dim3A_92 : vector<64x1xf32>
    %add3A_93 = arith.addf %broadcast_in_dim3A_88, %log3A : vector<64x1xf32>
    %sub3A_94 = vector.broadcast %add3A_93 : vector<64x1xf32> to vector<64x16xf32>
    %sub3A_95 = arith.subf %add3A_86, %sub3A_94 : vector<64x16xf32>
    %swap3A = arith.constant 0 : index
    %swap3A_96 = arith.constant 0 : index
    %swap3A_97 = vector.load %arg11[%swap3A, %swap3A_96] : memref<64x16xf32, #tpu.memory_space<vmem>>, vector<64x16xf32>
    tpu.vector_store %arg11[%swap3A, %swap3A_96], %sub3A_95 {strides = array<i32>} : memref<64x16xf32, #tpu.memory_space<vmem>>, vector<64x16xf32>,
    %swap3A_98 = arith.constant 0 : index
    %swap3A_99 = arith.constant 0 : index
    %swap3A_100 = vector.load %arg12[%swap3A_98, %swap3A_99] : memref<64x128xf32, #tpu.memory_space<vmem>>, vector<64x128xf32>
    tpu.vector_store %arg12[%swap3A_98, %swap3A_99], %div3A_47 {strides = array<i32>} : memref<64x128xf32, #tpu.memory_space<vmem>>, vector<64x128xf32>,
    return
  }
}

</mosaic_0001>

<sc_bundles>
// kernel: kernel.11.cloned.1.call-start
scs
__scs_entry_jumppad:
0x0: {  	(pc) =	sbr.rel $0x88, $3  }
0x1: {  	(tag) =	ssettag $0x0;
	lr =	simm.s32 $0x1  }
0x2: {  	[smem:$0x3F92] =	sst lr;
	_ =	strace $0xD0000000  }
0x3: {  	_ = 	snop  }
0x4: {  	_ = 	snop  }
0x5: {  	_ = 	snop  }
0x6: {  	_ = 	snop  }
0x7: {  	_ = 	snop  }
__scs_overlays_trampoline_lowered:
0x8: {  	[smem:$0x3FA1] =	sst s0  }
0x9: {  	[smem:$0x3FA2] =	sst s1  }
0xa: {  	[smem:$0x3FA3] =	sst s2  }
0xb: {  	[smem:$0x3FA4] =	sst s3  }
0xc: {  	[smem:$0x3FA5] =	sst s4  }
0xd: {  	[smem:$0x3FA6] =	sst s5  }
0xe: {  	[smem:$0x3FA7] =	sst s6  }
0xf: {  	[smem:$0x3FA8] =	sst s7  }
0x10: {  	[smem:$0x3FA9] =	sst s8  }
0x11: {  	[smem:$0x3FAA] =	sst s9;
	s0 =	simm.s32 @!p0 $0x0  }
0x12: {  	s1 =	sld [smem:$0x3F90];
	s0 =	simm.s32 @p0 $0x1  }
0x13: {  	[smem:$0x3FAB] =	sst s0;
	s0 =	simm.s32 @!p1 $0x0  }
0x14: {  	s2 =	sld [smem:$0x3F8F];
	s0 =	simm.s32 @p1 $0x1  }
0x15: {  	[smem:$0x3FAC] =	sst s0;
	s0 =	simm.s32 @!p2 $0x0  }
0x16: {  	s3 =	sld [smem:$0x3FDB];
	s0 =	simm.s32 @p2 $0x1  }
0x17: {  	s4 =	simm.s32 $0x1BF5;
	[smem:$0x3FAE] =	sst s0  }
0x18: {  	s0 =	sld [smem:$0x3F91];
	_ =	swait.ge [sflag:s4], $0x0  }
0x19: {  	s7 =	sld [smem:$0x3F92]  }
0x1a: {  	s8 =	sadd.s32 $0xFFFFE003, lr  }
0x1b: {  	s9 =	sadd.s32 $0xFFFFFEF7, lr;
	s5 =	simm.s32 $0xFFFFFFFF;
	p2 =	slt.u32 s8, $0xFFFFF086  }
0x1c: {  	p1 =	slt.u32 s9, $0xF7A;
	s5 =	simm.s32 @!p2 $0x0  }
0x1d: {  	s5 =	simm.s32 @p1 $0x1;
	p0 =	seq.s32 s7, s2  }
0x1e: {  	s7 =	smul.u32 @!p0 $0xF7A, s2;
	p2 =	seq.s32 @!p0 s5, $0x0  }
0x1f: {  	s9 =	smul.u32 $0xF7A, s1;
	s8 =	simm.s32 @!p0 $0x1BF5;
	p2 =	por !p2, p0  }
0x20: {  	[sflag:s8] =	ssyncset.s32 @!p0 $0xFFFFF086;
	s6 =	sadd.s32 @!p0 s3, s7;
	s7 =	simm.s32 @!p0 $0x108  }
0x21: {  	s3 =	sadd.s32 s3, s9;
	s6 =	sadd.s32 @!p0 $0x88, s6;
	s7 =	simm.s32 @p2 $0x1082  }
0x22: {  	[simem:s7], [sflag:s8] =	dma.local @!p0 [hbm:s6], $0xF7A  }
0x23: {  	s9 =	sor.u32 $0xD0000000, s2;
	s6 =	simm.s32 $0x108;
	_ =	swait.ge @!p0 [sflag:s8], $0x0  }
0x24: {  	s3 =	sadd.s32 $0x88, s3;
	s6 =	simm.s32 @!p1 $0x1082;
	[sflag:s4] =	ssyncset.s32 $0xFFFFF086  }
0x25: {  	[simem:s6], [sflag:s4] =	dma.local [hbm:s3], $0xF7A  }
0x26: {  	[smem:$0x3F92] =	sst s1;
	(tag) =	ssettag s2;
	_ =	strace s9  }
0x27: {  	s1 =	sld [smem:$0x3FA2]  }
0x28: {  	s2 =	sld [smem:$0x3FA3]  }
0x29: {  	s4 =	sld [smem:$0x3FA5]  }
0x2a: {  	p0 =	seq.s32 s5, $0x0;
	s5 =	sld [smem:$0x3FA6]  }
0x2b: {  	s6 =	sld [smem:$0x3FA7]  }
0x2c: {  	s7 =	sld [smem:$0x3FA8]  }
0x2d: {  	s3 =	simm.s32 $0x108;
	s8 =	sld [smem:$0x3FA9]  }
0x2e: {  	s3 =	simm.s32 @!p0 $0x1082;
	s9 =	sld [smem:$0x3FAA]  }
0x2f: {  	lr =	sadd.s32 s0, s3;
	s0 =	sld [smem:$0x3FA1]  }
0x30: {  	s3 =	sld [smem:$0x3FA4]  }
0x31: {  	[smem:$0x3FAD] =	sst s10  }
0x32: {  	s10 =	sld [smem:$0x3FAB];
	_ =	sdelay $0x3  }
0x33: {  	p0 =	seq.s32 s10, $0x1;
	s10 =	sld [smem:$0x3FAD];
	_ =	sdelay $0x3  }
0x34: {  	[smem:$0x3FAD] =	sst s10  }
0x35: {  	s10 =	sld [smem:$0x3FAC];
	_ =	sdelay $0x3  }
0x36: {  	p1 =	seq.s32 s10, $0x1;
	s10 =	sld [smem:$0x3FAD];
	_ =	sdelay $0x3  }
0x37: {  	[smem:$0x3FAD] =	sst s10  }
0x38: {  	s10 =	sld [smem:$0x3FAE]  }
0x39: {  	_ = 	snop;
	(pc) =	sbr.ind lr, $3  }
0x3a: {  	_ = 	snop  }
0x3b: {  	_ = 	snop  }
0x3c: {  	p2 =	seq.s32 s10, $0x1;
	s10 =	sld [smem:$0x3FAD]  }
0x3d: {  	_ =	shalt  }
0x3e: {  	_ =	shalt  }
0x3f: {  	_ =	shalt  }
0x40: {  	_ =	shalt  }
0x41: {  	_ =	shalt  }
0x42: {  	_ =	shalt  }
0x43: {  	_ =	shalt  }
0x44: {  	_ =	shalt  }
0x45: {  	_ =	shalt  }
0x46: {  	_ =	shalt  }
0x47: {  	_ =	shalt  }
0x48: {  	_ =	shalt  }
0x49: {  	_ =	shalt  }
0x4a: {  	_ =	shalt  }
0x4b: {  	_ =	shalt  }
0x4c: {  	_ =	shalt  }
0x4d: {  	_ =	shalt  }
0x4e: {  	_ =	shalt  }
0x4f: {  	_ =	shalt  }
0x50: {  	_ =	shalt  }
0x51: {  	_ =	shalt  }
0x52: {  	_ =	shalt  }
0x53: {  	_ =	shalt  }
0x54: {  	_ =	shalt  }
0x55: {  	_ =	shalt  }
0x56: {  	_ =	shalt  }
0x57: {  	_ =	shalt  }
0x58: {  	_ =	shalt  }
0x59: {  	_ =	shalt  }
0x5a: {  	_ =	shalt  }
0x5b: {  	_ =	shalt  }
0x5c: {  	_ =	shalt  }
0x5d: {  	_ =	shalt  }
0x5e: {  	_ =	shalt  }
0x5f: {  	_ =	shalt  }
0x60: {  	_ =	shalt  }
0x61: {  	_ =	shalt  }
0x62: {  	_ =	shalt  }
0x63: {  	_ =	shalt  }
0x64: {  	_ =	shalt  }
0x65: {  	_ =	shalt  }
0x66: {  	_ =	shalt  }
0x67: {  	_ =	shalt  }
0x68: {  	_ =	shalt  }
0x69: {  	_ =	shalt  }
0x6a: {  	_ =	shalt  }
0x6b: {  	_ =	shalt  }
0x6c: {  	_ =	shalt  }
0x6d: {  	_ =	shalt  }
0x6e: {  	_ =	shalt  }
0x6f: {  	_ =	shalt  }
0x70: {  	_ =	shalt  }
0x71: {  	_ =	shalt  }
0x72: {  	_ =	shalt  }
0x73: {  	_ =	shalt  }
0x74: {  	_ =	shalt  }
0x75: {  	_ =	shalt  }
0x76: {  	_ =	shalt  }
0x77: {  	_ =	shalt  }
0x78: {  	_ =	shalt  }
0x79: {  	_ =	shalt  }
0x7a: {  	_ =	shalt  }
0x7b: {  	_ =	shalt  }
0x7c: {  	_ =	shalt  }
0x7d: {  	_ =	shalt  }
0x7e: {  	_ =	shalt  }
0x7f: {  	_ =	shalt  }
0x80: {  	_ =	shalt  }
0x81: {  	_ =	shalt  }
0x82: {  	_ =	shalt  }
0x83: {  	_ =	shalt  }
0x84: {  	_ =	shalt  }
0x85: {  	_ =	shalt  }
0x86: {  	_ =	shalt  }
0x87: {  	_ =	shalt  }
.Lfunc_end0:
.L_simem_size_0:
called_computation.1_lowered:
.L_overlay_start_0:
0x88: {  	s2 =	sld [smem:$0x3FD9]  }
0x89: {  	s3 =	sld [smem:$0x3FFE];
	_ =	sdelay $0x1  }
0x8a: {  	s1 =	srdreg.scid  }
0x8b: {  	s0 =	sand.u32 $0x1, s1  }
0x8c: {  	s16 =	sshll.u32 s0, $0xA;
	s2 =	sadd.s32 s3, s2  }
0x8d: {  	s2 =	sadd.s32 s2, s16  }
0x8e: {  	[smem:$0x3FB9] =	sst s2  }
0x8f: {  	_ = 	snop  }
0x90: {  	(tm) =	ssettm $0x1  }
0x91: {  	s17 =	sld [smem:$0x3FFB];
	_ =	sdelay $0x3  }
0x92: {  	_ =	strace s17  }
0x93: {  	s2 =	sld [smem:$0x3FFC];
	_ =	sdelay $0x3  }
0x94: {  	_ =	strace s2  }
0x95: {  	s2 =	sld [smem:$0x3FFD];
	_ =	sdelay $0x3  }
0x96: {  	_ =	strace s2  }
0x97: {  	_ =	strace $0x8FFFFFFF  }
0x98: {  	s18 =	sld [smem:$0x3FDB];
	_ =	sdelay $0x1  }
0x99: {  	s19 =	simm.s32 $_scs_section_size  }
0x9a: {  	s4 =	simm.s32 $_size__tile_overlayer_lowered;
	s5 =	simm.s32 $_tile_overlayer_lowered  }
0x9b: {  	s22 =	simm.s32 $0x1BFF;
	s21 =	sshll.u32 s5, $0x1;
	s2 =	sadd.s32 s19, s18  }
0x9c: {  	s6 =	simm.s32 $0x0;
	s20 =	sshll.u32 s4, $0x1;
	s4 =	sadd.s32 s21, s2  }
0x9d: {  	[timem:s6], [sflag:s22] =	dma.local [hbm:s4], s20  }
0x9e: {  	_ =	swait.ge [sflag:s22], s20  }
0x9f: {  	s3 =	ssub.s32 $0x0, s20;
	[sflag:s22] =	ssyncset.done $0x0  }
0xa0: {  	[sflag:s22] =	ssyncadd.s32 s3;
	_ =	sdelay $0x1  }
0xa1: {  	s23 =	simm.s32 $0x1B8B  }
0xa2: {  	_ =	swait.ge [sflag:s23], $0x1  }
0xa3: {  	[sflag:s23] =	ssyncset.done $0x0  }
0xa4: {  	s25 =	simm.s32 $0x1B8E;
	s24 =	sld [smem:$0x3FFE];
	[sflag:s23] =	ssyncadd.s32 $0xFFFFFFFF  }
0xa5: {  	s26 =	simm.s32 $execute0_lowered;
	[smem:$0x3FD2] =	sst s25  }
0xa6: {  	s4 =	sshll.u32 s26, $0x1;
	_ =	strace $0x80000049;
	[dreg:$0x1] =	wrdreg $0xFFFFFFFF  }
0xa7: {  	s28 =	simm.s32 $_size_execute0_lowered;
	s2 =	sadd.s32 s2, s4;
	[dreg:$0x0] =	wrdreg $0x0  }
0xa8: {  	s4 =	sshll.u32 s28, $0x1;
	[dreg:$0x2] =	wrdreg s2  }
0xa9: {  	[dreg:$0x3] =	wrdreg s4  }
0xaa: {  	[dreg:$0x4] =	wrdreg $0xC0  }
0xab: {  	_ =	task [dreg:s6], $0x5FFFF  }
0xac: {  	[dreg:$0x1] =	wrdreg $0xFFFFFFFF  }
0xad: {  	[dreg:$0x0] =	wrdreg $0x60  }
0xae: {  	[dreg:$0x2] =	wrdreg s24  }
0xaf: {  	[dreg:$0x3] =	wrdreg $0xAC000  }
0xb0: {  	[dreg:$0x4] =	wrdreg $0x9  }
0xb1: {  	_ =	task.clear_ibuf [dreg:s6], $0x5FFFF;
	_ =	strace $0x90000049  }
0xb2: {  	s29 =	simm.s32 $0x9;
	_ =	strace $0x8000004B  }
0xb3: {  	_ =	swait.ge [sflag:s29], $0x1  }
0xb4: {  	[sflag:s29] =	ssyncadd.s32 $0xFFFFFFFF  }
0xb5: {  	_ =	strace $0x9000004B  }
0xb6: {  	_ =	sfence  }
0xb7: {  	s30 =	sld [smem:$0x0];
	_ =	sdelay $0x2  }
0xb8: {  	s31 =	sshll.u32 s1, $0xD;
	s1 =	sshrl.u32 s1, $0x2  }
0xb9: {  	s3 =	sand.u32 $0x4000, s31;
	s1 =	sadd.s32 s1, s30  }
0xba: {  	s0 =	sor.u32 s3, s0;
	s1 =	sshll.u32 s1, $0x11  }
0xbb: {  	s0 =	sor.u32 s1, s0  }
0xbc: {  	s0 =	sadd.s32 $0x8F2B, s0  }
0xbd: {  	[sflag:s0] =	ssyncadd.remote.s32 $0x1  }
0xbe: {  	_ =	sfence.sel $0xFFFF  }
0xbf: {  	[dreg:$0x0] =	wrdreg $0xFFFFFFFF;
	(pc) =	sbr.abs _section_cstart, $3  }
0xc0: {  	[dreg:$0x1] =	wrdreg $0xFFFFFFFF  }
0xc1: {  	_ =	task.clear_ibuf [dreg:s6], $0x2FFFF;
	_ =	strace $0x9FFFFFFF  }
0xc2: {  	(tm) =	ssettm $0x7FFFFFFF  }
0xc3: {  	_ =	shalt  }
tec
execute0_lowered:
.L_overlay_start_1:
0x0: {  	(tag) =	ssettag $0x1  }
0x1: {  	s7 =	rddreg [dreg:$0x0]  }
0x2: {  	s0 =	srdreg.scid;
	s2 =	rddreg [dreg:$0x1]  }
0x3: {  	s3 =	simm.s32 $0x0;
	s14 =	simm.s32 $0x2C00;
	s15 =	simm.s32 $0x1  }
0x4: {  	s16 =	simm.s32 $0x2800;
	s18 =	simm.s32 $0x2880;
	s17 =	simm.s32 $0x6C00  }
0x5: {  	s20 =	simm.s32 $0x2900;
	s19 =	simm.s32 $0x3;
	s6 =	sand.u32 $0x1, s0  }
0x6: {  	s21 =	simm.s32 $0x2A00;
	s0 =	stileid.u32;
	s5 =	smul.u32 $0x28000, s6  }
0x7: {  	s22 =	simm.s32 $0x2A80;
	s23 =	simm.s32 $0x2B00;
	s8 =	smul.u32 $0x2800, s0  }
0x8: {  	s24 =	simm.s32 $0x2B80;
	s25 =	simm.s32 $0x0;
	s9 =	smul.u32 $0x140000, s6  }
0x9: {  	[smem:$0x7FF] =	sst s3;
	s1 =	sshll.u32 s6, $0x4;
	s28 =	smul.u32 $0x14000, s0  }
0xa: {  	s29 =	smul.u32 $0x50000, s0;
	s6 =	ssub.s32 $0x2, s6;
	s1 =	sor.u32 s0, s1  }
0xb: {  	s31 =	sshll.u32 s0, $0x6;
	s30 =	sshrl.u32 s6, $0x1;
	s4 =	smul.u32 $0x2800, s1  }
0xc: {  	s1 =	rddreg [dreg:$0x2];
	_ =	strace $0x8000004A;
	s5 =	sadd.s32 s8, s5  }
0xd: {  	s8 =	sadd.s32 s28, s9;
	s9 =	sshrl.u32 s29, $0x2;
	s12 =	ssub.s32 s6, s30  }
0xe: {  	s6 =	sor.u32 $0x1C04, s31;
	[dreg:$0x3] =	wrdreg s18;
	s18 =	simm.s32 $0x2  }
0xf: {  	[dreg:$0x4] =	wrdreg s20;
	s20 =	simm.s32 $0x2980;
	s5 =	sshrl.u32 s5, $0x3  }
0x10: {  	s8 =	sshrl.u32 s8, $0x3;
	s13 =	sadd.s32 s9, s2;
	s9 =	smax.u32 s12, $0x1  }
0x11: {  	s12 =	simm.s32 $0x4;
	s10 =	sshrl.u32 s4, $0x3;
	s4 =	sadd.s32 $0x6A200, s7  }
0x12: {  	s11 =	sadd.s32 s5, s7;
	s8 =	sadd.s32 s8, s7;
	s10 =	sadd.s32 s10, s7  }
0x13: {  	s5 =	sadd.s32 $0xD200, s7;
	s8 =	sadd.s32 $0x91400, s8;
	s7 =	sadd.s32 $0x60200, s10  }
0x14: {  	s10 =	sadd.s32 $0x3200, s11;
	s11 =	sshrl.u32 s13, $0x3;
	s13 =	simm.s32 $0x7D  }
.LBB2_1:
0x15: {  	[spmem:s11], [sflag:s6] =	dma.local [hbm:s5], $0x2800  }
0x16: {  	_ =	swait.ge [sflag:s12], $0x2800  }
0x17: {  	[sflag:s12] =	ssyncset.done $0x0  }
0x18: {  	[sflag:s12] =	ssyncadd.s32 $0xFFFFD800  }
0x19: {  	[tilespmem:s3], [sflag:$0x4] =	stream.linear.gather [hbm4b:s7+s3], $0x2800, $0x38;
	[tilespmem:$0x1EC00] =	vst v63  }
0x1a: {  	_ =	swait.ge [sflag:s12], $0x2800  }
0x1b: {  	[sflag:s12] =	ssyncset.done $0x0  }
0x1c: {  	[sflag:s12] =	ssyncadd.s32 $0xFFFFD800  }
0x1d: {  	[bflag:$0x0] =	sbarrier.arrive $0xFFFF  }
0x1e: {  	[tilespmem:s14], [sflag:$0x1] =	stream.indirect.gather [hbm4b:s4+s13], $0x80, s3, s13, $0xb8;
	[tilespmem:$0x1EC00] =	vst v63  }
0x1f: {  	_ =	swait.ge [sflag:s15], $0x3E80  }
0x20: {  	[sflag:s15] =	ssyncset.done $0x0  }
0x21: {  	[sflag:s15] =	ssyncadd.s32 $0xFFFFC180  }
0x22: {  	[tilespmem:s16], [sflag:$0x4] =	stream.linear.gather [hbm4b:s10+s3], $0x400, $0x38;
	[tilespmem:$0x1EC00] =	vst v63  }
0x23: {  	_ =	swait.ge [sflag:s12], $0x400  }
0x24: {  	[sflag:s12] =	ssyncset.done $0x0  }
0x25: {  	[sflag:s12] =	ssyncadd.s32 $0xFFFFFC00  }
0x26: {  	[spmem:s2] =	stream.indirect.scatter.add.f32 [tilespmem:s14], [sflag:$0x2], $0x80, s16, s13, $0xb8;
	[tilespmem:$0x1EC00] =	vst v63  }
0x27: {  	s26 =	simm.s32 $0x80  }
0x28: {  	[tilespmem:s17], [sflag:$0x1] =	stream.indirect.gather [hbm4b:s4+s13], $0x80, s26, s13, $0xb8;
	[tilespmem:$0x1EC00] =	vst v63  }
0x29: {  	_ =	swait.ge [sflag:s15], $0x3E80  }
0x2a: {  	[sflag:s15] =	ssyncset.done $0x0  }
0x2b: {  	s30 =	rddreg [dreg:$0x3];
	[sflag:s15] =	ssyncadd.s32 $0xFFFFC180  }
0x2c: {  	[spmem:s2] =	stream.indirect.scatter.add.f32 [tilespmem:s17], [sflag:$0x3], $0x80, s30, s13, $0xb8;
	[tilespmem:$0x1EC00] =	vst v63  }
0x2d: {  	_ =	swait.ge [sflag:s18], $0x3E80  }
0x2e: {  	[sflag:s18] =	ssyncset.done $0x0  }
0x2f: {  	s31 =	simm.s32 $0x100;
	[sflag:s18] =	ssyncadd.s32 $0xFFFFC180  }
0x30: {  	[tilespmem:s14], [sflag:$0x1] =	stream.indirect.gather [hbm4b:s4+s13], $0x80, s31, s13, $0xb8;
	[tilespmem:$0x1EC00] =	vst v63  }
0x31: {  	_ =	swait.ge [sflag:s15], $0x3E80  }
0x32: {  	[sflag:s15] =	ssyncset.done $0x0  }
0x33: {  	[sflag:s15] =	ssyncadd.s32 $0xFFFFC180  }
0x34: {  	_ =	swait.ge [sflag:s19], $0x3E80  }
0x35: {  	[sflag:s19] =	ssyncset.done $0x0  }
0x36: {  	s29 =	rddreg [dreg:$0x4];
	[sflag:s19] =	ssyncadd.s32 $0xFFFFC180  }
0x37: {  	[spmem:s2] =	stream.indirect.scatter.add.f32 [tilespmem:s14], [sflag:$0x2], $0x80, s29, s13, $0xb8;
	[tilespmem:$0x1EC00] =	vst v63  }
0x38: {  	s30 =	simm.s32 $0x180  }
0x39: {  	[tilespmem:s17], [sflag:$0x1] =	stream.indirect.gather [hbm4b:s4+s13], $0x80, s30, s13, $0xb8;
	[tilespmem:$0x1EC00] =	vst v63  }
0x3a: {  	_ =	swait.ge [sflag:s15], $0x3E80  }
0x3b: {  	[sflag:s15] =	ssyncset.done $0x0  }
0x3c: {  	[sflag:s15] =	ssyncadd.s32 $0xFFFFC180  }
0x3d: {  	[spmem:s2] =	stream.indirect.scatter.add.f32 [tilespmem:s17], [sflag:$0x3], $0x80, s20, s13, $0xb8;
	[tilespmem:$0x1EC00] =	vst v63  }
0x3e: {  	_ =	swait.ge [sflag:s18], $0x3E80  }
0x3f: {  	[sflag:s18] =	ssyncset.done $0x0  }
0x40: {  	s31 =	simm.s32 $0x200;
	[sflag:s18] =	ssyncadd.s32 $0xFFFFC180  }
0x41: {  	[tilespmem:s14], [sflag:$0x1] =	stream.indirect.gather [hbm4b:s4+s13], $0x80, s31, s13, $0xb8;
	[tilespmem:$0x1EC00] =	vst v63  }
0x42: {  	_ =	swait.ge [sflag:s15], $0x3E80  }
0x43: {  	[sflag:s15] =	ssyncset.done $0x0  }
0x44: {  	[sflag:s15] =	ssyncadd.s32 $0xFFFFC180  }
0x45: {  	_ =	swait.ge [sflag:s19], $0x3E80  }
0x46: {  	[sflag:s19] =	ssyncset.done $0x0  }
0x47: {  	[sflag:s19] =	ssyncadd.s32 $0xFFFFC180  }
0x48: {  	[spmem:s2] =	stream.indirect.scatter.add.f32 [tilespmem:s14], [sflag:$0x2], $0x80, s21, s13, $0xb8;
	[tilespmem:$0x1EC00] =	vst v63  }
0x49: {  	s29 =	simm.s32 $0x280  }
0x4a: {  	[tilespmem:s17], [sflag:$0x1] =	stream.indirect.gather [hbm4b:s4+s13], $0x80, s29, s13, $0xb8;
	[tilespmem:$0x1EC00] =	vst v63  }
0x4b: {  	_ =	swait.ge [sflag:s15], $0x3E80  }
0x4c: {  	[sflag:s15] =	ssyncset.done $0x0  }
0x4d: {  	[sflag:s15] =	ssyncadd.s32 $0xFFFFC180  }
0x4e: {  	[spmem:s2] =	stream.indirect.scatter.add.f32 [tilespmem:s17], [sflag:$0x3], $0x80, s22, s13, $0xb8;
	[tilespmem:$0x1EC00] =	vst v63  }
0x4f: {  	_ =	swait.ge [sflag:s18], $0x3E80  }
0x50: {  	[sflag:s18] =	ssyncset.done $0x0  }
0x51: {  	s30 =	simm.s32 $0x300;
	[sflag:s18] =	ssyncadd.s32 $0xFFFFC180  }
0x52: {  	[tilespmem:s14], [sflag:$0x1] =	stream.indirect.gather [hbm4b:s4+s13], $0x80, s30, s13, $0xb8;
	[tilespmem:$0x1EC00] =	vst v63  }
0x53: {  	_ =	swait.ge [sflag:s15], $0x3E80  }
0x54: {  	[sflag:s15] =	ssyncset.done $0x0  }
0x55: {  	[sflag:s15] =	ssyncadd.s32 $0xFFFFC180  }
0x56: {  	_ =	swait.ge [sflag:s19], $0x3E80  }
0x57: {  	[sflag:s19] =	ssyncset.done $0x0  }
0x58: {  	[sflag:s19] =	ssyncadd.s32 $0xFFFFC180  }
0x59: {  	[spmem:s2] =	stream.indirect.scatter.add.f32 [tilespmem:s14], [sflag:$0x2], $0x80, s23, s13, $0xb8;
	[tilespmem:$0x1EC00] =	vst v63  }
0x5a: {  	s31 =	simm.s32 $0x380  }
0x5b: {  	[tilespmem:s17], [sflag:$0x1] =	stream.indirect.gather [hbm4b:s4+s13], $0x80, s31, s13, $0xb8;
	[tilespmem:$0x1EC00] =	vst v63  }
0x5c: {  	_ =	swait.ge [sflag:s15], $0x3E80  }
0x5d: {  	[sflag:s15] =	ssyncset.done $0x0  }
0x5e: {  	[sflag:s15] =	ssyncadd.s32 $0xFFFFC180  }
0x5f: {  	[spmem:s2] =	stream.indirect.scatter.add.f32 [tilespmem:s17], [sflag:$0x3], $0x80, s24, s13, $0xb8;
	[tilespmem:$0x1EC00] =	vst v63  }
0x60: {  	p0 =	por $0x0, $0x0;
	_ =	swait.ge [sflag:s18], $0x3E80  }
0x61: {  	s28 =	simm.s32 @!p0 $0x400;
	[sflag:s18] =	ssyncset.done $0x0  }
0x62: {  	s26 =	simm.s32 @!p0 $0x7D;
	s29 =	simm.s32 @!p0 $0x2C00;
	[sflag:s18] =	ssyncadd.s32 $0xFFFFC180  }
0x63: {  	[tilespmem:s29], [sflag:$0x1] =	stream.indirect.gather @!p0 [hbm4b:s4+s26], $0x80, s28, s26, $0xb8;
	[tilespmem:$0x1EC00] =	vst v63  }
0x64: {  	s26 =	simm.s32 @!p0 $0x1  }
0x65: {  	_ =	swait.ge @!p0 [sflag:s26], $0x3E80  }
0x66: {  	[sflag:s26] =	ssyncset.done @!p0 $0x0  }
0x67: {  	[sflag:s26] =	ssyncadd.s32 @!p0 $0xFFFFC180  }
0x68: {  	s28 =	smov.u32 s10;
	s26 =	simm.s32 $0x1000;
	_ =	swait.ge [sflag:s19], $0x3E80  }
.LBB2_2:
0x69: {  	[sflag:s19] =	ssyncset.done $0x0  }
0x6a: {  	s28 =	sadd.s32 $0x80, s28;
	[sflag:s19] =	ssyncadd.s32 $0xFFFFC180  }
0x6b: {  	[tilespmem:s16], [sflag:$0x4] =	stream.linear.gather [hbm4b:s28+s3], $0x400, $0x38;
	[tilespmem:$0x1EC00] =	vst v63  }
0x6c: {  	_ =	swait.ge [sflag:s12], $0x400  }
0x6d: {  	s29 =	smov.u32 s26;
	[sflag:s12] =	ssyncset.done $0x0  }
0x6e: {  	s30 =	sshra.s32 s29, $0x2;
	[sflag:s12] =	ssyncadd.s32 $0xFFFFFC00  }
0x6f: {  	[spmem:s2] =	stream.indirect.scatter.add.f32 [tilespmem:s14], [sflag:$0x2], $0x80, s16, s13, $0xb8;
	[tilespmem:$0x1EC00] =	vst v63  }
0x70: {  	s31 =	sadd.s32 $0x80, s30  }
0x71: {  	[tilespmem:s17], [sflag:$0x1] =	stream.indirect.gather [hbm4b:s4+s13], $0x80, s31, s13, $0xb8;
	[tilespmem:$0x1EC00] =	vst v63  }
0x72: {  	_ =	swait.ge [sflag:s15], $0x3E80  }
0x73: {  	[sflag:s15] =	ssyncset.done $0x0  }
0x74: {  	s31 =	rddreg [dreg:$0x3];
	[sflag:s15] =	ssyncadd.s32 $0xFFFFC180  }
0x75: {  	[spmem:s2] =	stream.indirect.scatter.add.f32 [tilespmem:s17], [sflag:$0x3], $0x80, s31, s13, $0xb8;
	[tilespmem:$0x1EC00] =	vst v63  }
0x76: {  	_ =	swait.ge [sflag:s18], $0x3E80  }
0x77: {  	[sflag:s18] =	ssyncset.done $0x0  }
0x78: {  	s31 =	sadd.s32 $0x100, s30;
	[sflag:s18] =	ssyncadd.s32 $0xFFFFC180  }
0x79: {  	[tilespmem:s14], [sflag:$0x1] =	stream.indirect.gather [hbm4b:s4+s13], $0x80, s31, s13, $0xb8;
	[tilespmem:$0x1EC00] =	vst v63  }
0x7a: {  	_ =	swait.ge [sflag:s15], $0x3E80  }
0x7b: {  	[sflag:s15] =	ssyncset.done $0x0  }
0x7c: {  	[sflag:s15] =	ssyncadd.s32 $0xFFFFC180  }
0x7d: {  	_ =	swait.ge [sflag:s19], $0x3E80  }
0x7e: {  	[sflag:s19] =	ssyncset.done $0x0  }
0x7f: {  	s31 =	rddreg [dreg:$0x4];
	[sflag:s19] =	ssyncadd.s32 $0xFFFFC180  }
0x80: {  	[spmem:s2] =	stream.indirect.scatter.add.f32 [tilespmem:s14], [sflag:$0x2], $0x80, s31, s13, $0xb8;
	[tilespmem:$0x1EC00] =	vst v63  }
0x81: {  	s31 =	sadd.s32 $0x180, s30  }
0x82: {  	[tilespmem:s17], [sflag:$0x1] =	stream.indirect.gather [hbm4b:s4+s13], $0x80, s31, s13, $0xb8;
	[tilespmem:$0x1EC00] =	vst v63  }
0x83: {  	_ =	swait.ge [sflag:s15], $0x3E80  }
0x84: {  	[sflag:s15] =	ssyncset.done $0x0  }
0x85: {  	[sflag:s15] =	ssyncadd.s32 $0xFFFFC180  }
0x86: {  	[spmem:s2] =	stream.indirect.scatter.add.f32 [tilespmem:s17], [sflag:$0x3], $0x80, s20, s13, $0xb8;
	[tilespmem:$0x1EC00] =	vst v63  }
0x87: {  	_ =	swait.ge [sflag:s18], $0x3E80  }
0x88: {  	[sflag:s18] =	ssyncset.done $0x0  }
0x89: {  	s31 =	sadd.s32 $0x200, s30;
	[sflag:s18] =	ssyncadd.s32 $0xFFFFC180  }
0x8a: {  	[tilespmem:s14], [sflag:$0x1] =	stream.indirect.gather [hbm4b:s4+s13], $0x80, s31, s13, $0xb8;
	[tilespmem:$0x1EC00] =	vst v63  }
0x8b: {  	_ =	swait.ge [sflag:s15], $0x3E80  }
0x8c: {  	[sflag:s15] =	ssyncset.done $0x0  }
0x8d: {  	[sflag:s15] =	ssyncadd.s32 $0xFFFFC180  }
0x8e: {  	_ =	swait.ge [sflag:s19], $0x3E80  }
0x8f: {  	[sflag:s19] =	ssyncset.done $0x0  }
0x90: {  	[sflag:s19] =	ssyncadd.s32 $0xFFFFC180  }
0x91: {  	[spmem:s2] =	stream.indirect.scatter.add.f32 [tilespmem:s14], [sflag:$0x2], $0x80, s21, s13, $0xb8;
	[tilespmem:$0x1EC00] =	vst v63  }
0x92: {  	s31 =	sadd.s32 $0x280, s30  }
0x93: {  	[tilespmem:s17], [sflag:$0x1] =	stream.indirect.gather [hbm4b:s4+s13], $0x80, s31, s13, $0xb8;
	[tilespmem:$0x1EC00] =	vst v63  }
0x94: {  	_ =	swait.ge [sflag:s15], $0x3E80  }
0x95: {  	[sflag:s15] =	ssyncset.done $0x0  }
0x96: {  	[sflag:s15] =	ssyncadd.s32 $0xFFFFC180  }
0x97: {  	[spmem:s2] =	stream.indirect.scatter.add.f32 [tilespmem:s17], [sflag:$0x3], $0x80, s22, s13, $0xb8;
	[tilespmem:$0x1EC00] =	vst v63  }
0x98: {  	_ =	swait.ge [sflag:s18], $0x3E80  }
0x99: {  	[sflag:s18] =	ssyncset.done $0x0  }
0x9a: {  	s31 =	sadd.s32 $0x300, s30;
	[sflag:s18] =	ssyncadd.s32 $0xFFFFC180  }
0x9b: {  	[tilespmem:s14], [sflag:$0x1] =	stream.indirect.gather [hbm4b:s4+s13], $0x80, s31, s13, $0xb8;
	[tilespmem:$0x1EC00] =	vst v63  }
0x9c: {  	_ =	swait.ge [sflag:s15], $0x3E80  }
0x9d: {  	[sflag:s15] =	ssyncset.done $0x0  }
0x9e: {  	[sflag:s15] =	ssyncadd.s32 $0xFFFFC180  }
0x9f: {  	_ =	swait.ge [sflag:s19], $0x3E80  }
0xa0: {  	[sflag:s19] =	ssyncset.done $0x0  }
0xa1: {  	[sflag:s19] =	ssyncadd.s32 $0xFFFFC180  }
0xa2: {  	[spmem:s2] =	stream.indirect.scatter.add.f32 [tilespmem:s14], [sflag:$0x2], $0x80, s23, s13, $0xb8;
	[tilespmem:$0x1EC00] =	vst v63  }
0xa3: {  	s30 =	sadd.s32 $0x380, s30  }
0xa4: {  	[tilespmem:s17], [sflag:$0x1] =	stream.indirect.gather [hbm4b:s4+s13], $0x80, s30, s13, $0xb8;
	[tilespmem:$0x1EC00] =	vst v63  }
0xa5: {  	_ =	swait.ge [sflag:s15], $0x3E80  }
0xa6: {  	[sflag:s15] =	ssyncset.done $0x0  }
0xa7: {  	p1 =	seq.s32 s29, $0x9000;
	[sflag:s15] =	ssyncadd.s32 $0xFFFFC180  }
0xa8: {  	[spmem:s2] =	stream.indirect.scatter.add.f32 [tilespmem:s17], [sflag:$0x3], $0x80, s24, s13, $0xb8;
	[tilespmem:$0x1EC00] =	vst v63  }
0xa9: {  	s26 =	sadd.s32 $0x1000, s26;
	s29 =	sshra.s32 @!p1 s29, $0x2;
	_ =	swait.ge [sflag:s18], $0x3E80  }
0xaa: {  	p0 =	sne.s32 s26, $0xA000;
	s29 =	sadd.s32 @!p1 $0x400, s29;
	[sflag:s18] =	ssyncset.done $0x0  }
0xab: {  	s31 =	simm.s32 @!p1 $0x2C00;
	s30 =	simm.s32 @!p1 $0x7D;
	[sflag:s18] =	ssyncadd.s32 $0xFFFFC180  }
0xac: {  	[tilespmem:s31], [sflag:$0x1] =	stream.indirect.gather @!p1 [hbm4b:s4+s30], $0x80, s29, s30, $0xb8;
	[tilespmem:$0x1EC00] =	vst v63  }
.Ltmp0:
0xad: {  	s29 =	simm.s32 @!p1 $0x1;
	(pc) =	sbr.rel @p0 .LBB2_2-.Ltmp0, $4  }
0xae: {  	_ =	swait.ge @!p1 [sflag:s29], $0x3E80  }
0xaf: {  	[sflag:s29] =	ssyncset.done @!p1 $0x0  }
0xb0: {  	[sflag:s29] =	ssyncadd.s32 @!p1 $0xFFFFC180  }
0xb1: {  	_ =	swait.ge [sflag:s19], $0x3E80  }
0xb2: {  	[sflag:s19] =	ssyncset.done $0x0;
	s25 =	sadd.s32 $0x1, s25  }
0xb3: {  	[sflag:s19] =	ssyncadd.s32 $0xFFFFC180;
	p0 =	sne.s32 s25, s9  }
.Ltmp1:
0xb4: {  	[bflag:$0x0] =	sbarrier.arrive $0xFFFF;
	(pc) =	sbr.rel @p0 .LBB2_1-.Ltmp1, $4  }
0xb5: {  	[hbm:s8], [sflag:s6] =	dma.local [spmem:s11], $0x2800  }
0xb6: {  	_ =	swait.ge [sflag:s12], $0x2800  }
0xb7: {  	[sflag:s12] =	ssyncset.done $0x0  }
0xb8: {  	[sflag:s12] =	ssyncadd.s32 $0xFFFFD800  }
0xb9: {  	_ =	sfence.sel $0x180000  }
0xba: {  	[bflag:$0x0] =	sbarrier.arrive $0xFFFF  }
0xbb: {  	p0 =	sne.s32 s0, $0x0;
	_ =	strace $0x9000004A  }
0xbc: {  	s0 =	sadd.s32 @!p0 $0x100000, s1;
	[bflag:$0x2] =	sbarrier.arrive $0xFFFF  }
0xbd: {  	[sflag:s0] =	ssyncadd.tile.s32 @!p0 $0x1;
	_ =	shalt  }
.Lfunc_end2:
_tile_overlayer_lowered:
.L_overlay_start_2:
0xbe: {  	(tag) =	ssettag $0x2  }
0xbf: {  	s0 =	rddreg [dreg:$0x0];
	s2 =	stileid.u32  }
0xc0: {  	s1 =	rddreg [dreg:$0x1];
	p0 =	sne.s32 s2, $0x0  }
0xc1: {  	s3 =	rddreg [dreg:$0x2];
	[bflag:$0x3] =	sbarrier.arrive $0xFFFF;
	s2 =	simm.s32 @!p0 $0x1C04  }
0xc2: {  	[timem:s3], [sflag:s2] =	dma.local @!p0 [hbm:s0], s1  }
0xc3: {  	s0 =	simm.s32 @!p0 $0x4  }
0xc4: {  	_ =	swait.ge @!p0 [sflag:s0], s1  }
0xc5: {  	s1 =	ssub.s32 @!p0 $0x0, s1;
	[sflag:s0] =	ssyncset.done @!p0 $0x0  }
0xc6: {  	[sflag:s0] =	ssyncadd.s32 @!p0 s1  }
0xc7: {  	[bflag:$0x3] =	sbarrier.arrive $0xFFFF  }
0xc8: {  	_ =	shalt  }

// kernel: kernel.14.cloned.1.call-start
scs
__scs_entry_jumppad:
0x0: {  	(pc) =	sbr.rel $0x88, $3  }
0x1: {  	(tag) =	ssettag $0x0;
	lr =	simm.s32 $0x1  }
0x2: {  	[smem:$0x3F92] =	sst lr;
	_ =	strace $0xD0000000  }
0x3: {  	_ = 	snop  }
0x4: {  	_ = 	snop  }
0x5: {  	_ = 	snop  }
0x6: {  	_ = 	snop  }
0x7: {  	_ = 	snop  }
__scs_overlays_trampoline_lowered:
0x8: {  	[smem:$0x3FA1] =	sst s0  }
0x9: {  	[smem:$0x3FA2] =	sst s1  }
0xa: {  	[smem:$0x3FA3] =	sst s2  }
0xb: {  	[smem:$0x3FA4] =	sst s3  }
0xc: {  	[smem:$0x3FA5] =	sst s4  }
0xd: {  	[smem:$0x3FA6] =	sst s5  }
0xe: {  	[smem:$0x3FA7] =	sst s6  }
0xf: {  	[smem:$0x3FA8] =	sst s7  }
0x10: {  	[smem:$0x3FA9] =	sst s8  }
0x11: {  	[smem:$0x3FAA] =	sst s9;
	s0 =	simm.s32 @!p0 $0x0  }
0x12: {  	s1 =	sld [smem:$0x3F90];
	s0 =	simm.s32 @p0 $0x1  }
0x13: {  	[smem:$0x3FAB] =	sst s0;
	s0 =	simm.s32 @!p1 $0x0  }
0x14: {  	s2 =	sld [smem:$0x3F8F];
	s0 =	simm.s32 @p1 $0x1  }
0x15: {  	[smem:$0x3FAC] =	sst s0;
	s0 =	simm.s32 @!p2 $0x0  }
0x16: {  	s3 =	sld [smem:$0x3FDB];
	s0 =	simm.s32 @p2 $0x1  }
0x17: {  	s4 =	simm.s32 $0x1BF5;
	[smem:$0x3FAE] =	sst s0  }
0x18: {  	s0 =	sld [smem:$0x3F91];
	_ =	swait.ge [sflag:s4], $0x0  }
0x19: {  	s7 =	sld [smem:$0x3F92]  }
0x1a: {  	s8 =	sadd.s32 $0xFFFFE003, lr  }
0x1b: {  	s9 =	sadd.s32 $0xFFFFFEF7, lr;
	s5 =	simm.s32 $0xFFFFFFFF;
	p2 =	slt.u32 s8, $0xFFFFF086  }
0x1c: {  	p1 =	slt.u32 s9, $0xF7A;
	s5 =	simm.s32 @!p2 $0x0  }
0x1d: {  	s5 =	simm.s32 @p1 $0x1;
	p0 =	seq.s32 s7, s2  }
0x1e: {  	s7 =	smul.u32 @!p0 $0xF7A, s2;
	p2 =	seq.s32 @!p0 s5, $0x0  }
0x1f: {  	s9 =	smul.u32 $0xF7A, s1;
	s8 =	simm.s32 @!p0 $0x1BF5;
	p2 =	por !p2, p0  }
0x20: {  	[sflag:s8] =	ssyncset.s32 @!p0 $0xFFFFF086;
	s6 =	sadd.s32 @!p0 s3, s7;
	s7 =	simm.s32 @!p0 $0x108  }
0x21: {  	s3 =	sadd.s32 s3, s9;
	s6 =	sadd.s32 @!p0 $0x88, s6;
	s7 =	simm.s32 @p2 $0x1082  }
0x22: {  	[simem:s7], [sflag:s8] =	dma.local @!p0 [hbm:s6], $0xF7A  }
0x23: {  	s9 =	sor.u32 $0xD0000000, s2;
	s6 =	simm.s32 $0x108;
	_ =	swait.ge @!p0 [sflag:s8], $0x0  }
0x24: {  	s3 =	sadd.s32 $0x88, s3;
	s6 =	simm.s32 @!p1 $0x1082;
	[sflag:s4] =	ssyncset.s32 $0xFFFFF086  }
0x25: {  	[simem:s6], [sflag:s4] =	dma.local [hbm:s3], $0xF7A  }
0x26: {  	[smem:$0x3F92] =	sst s1;
	(tag) =	ssettag s2;
	_ =	strace s9  }
0x27: {  	s1 =	sld [smem:$0x3FA2]  }
0x28: {  	s2 =	sld [smem:$0x3FA3]  }
0x29: {  	s4 =	sld [smem:$0x3FA5]  }
0x2a: {  	p0 =	seq.s32 s5, $0x0;
	s5 =	sld [smem:$0x3FA6]  }
0x2b: {  	s6 =	sld [smem:$0x3FA7]  }
0x2c: {  	s7 =	sld [smem:$0x3FA8]  }
0x2d: {  	s3 =	simm.s32 $0x108;
	s8 =	sld [smem:$0x3FA9]  }
0x2e: {  	s3 =	simm.s32 @!p0 $0x1082;
	s9 =	sld [smem:$0x3FAA]  }
0x2f: {  	lr =	sadd.s32 s0, s3;
	s0 =	sld [smem:$0x3FA1]  }
0x30: {  	s3 =	sld [smem:$0x3FA4]  }
0x31: {  	[smem:$0x3FAD] =	sst s10  }
0x32: {  	s10 =	sld [smem:$0x3FAB];
	_ =	sdelay $0x3  }
0x33: {  	p0 =	seq.s32 s10, $0x1;
	s10 =	sld [smem:$0x3FAD];
	_ =	sdelay $0x3  }
0x34: {  	[smem:$0x3FAD] =	sst s10  }
0x35: {  	s10 =	sld [smem:$0x3FAC];
	_ =	sdelay $0x3  }
0x36: {  	p1 =	seq.s32 s10, $0x1;
	s10 =	sld [smem:$0x3FAD];
	_ =	sdelay $0x3  }
0x37: {  	[smem:$0x3FAD] =	sst s10  }
0x38: {  	s10 =	sld [smem:$0x3FAE]  }
0x39: {  	_ = 	snop;
	(pc) =	sbr.ind lr, $3  }
0x3a: {  	_ = 	snop  }
0x3b: {  	_ = 	snop  }
0x3c: {  	p2 =	seq.s32 s10, $0x1;
	s10 =	sld [smem:$0x3FAD]  }
0x3d: {  	_ =	shalt  }
0x3e: {  	_ =	shalt  }
0x3f: {  	_ =	shalt  }
0x40: {  	_ =	shalt  }
0x41: {  	_ =	shalt  }
0x42: {  	_ =	shalt  }
0x43: {  	_ =	shalt  }
0x44: {  	_ =	shalt  }
0x45: {  	_ =	shalt  }
0x46: {  	_ =	shalt  }
0x47: {  	_ =	shalt  }
0x48: {  	_ =	shalt  }
0x49: {  	_ =	shalt  }
0x4a: {  	_ =	shalt  }
0x4b: {  	_ =	shalt  }
0x4c: {  	_ =	shalt  }
0x4d: {  	_ =	shalt  }
0x4e: {  	_ =	shalt  }
0x4f: {  	_ =	shalt  }
0x50: {  	_ =	shalt  }
0x51: {  	_ =	shalt  }
0x52: {  	_ =	shalt  }
0x53: {  	_ =	shalt  }
0x54: {  	_ =	shalt  }
0x55: {  	_ =	shalt  }
0x56: {  	_ =	shalt  }
0x57: {  	_ =	shalt  }
0x58: {  	_ =	shalt  }
0x59: {  	_ =	shalt  }
0x5a: {  	_ =	shalt  }
0x5b: {  	_ =	shalt  }
0x5c: {  	_ =	shalt  }
0x5d: {  	_ =	shalt  }
0x5e: {  	_ =	shalt  }
0x5f: {  	_ =	shalt  }
0x60: {  	_ =	shalt  }
0x61: {  	_ =	shalt  }
0x62: {  	_ =	shalt  }
0x63: {  	_ =	shalt  }
0x64: {  	_ =	shalt  }
0x65: {  	_ =	shalt  }
0x66: {  	_ =	shalt  }
0x67: {  	_ =	shalt  }
0x68: {  	_ =	shalt  }
0x69: {  	_ =	shalt  }
0x6a: {  	_ =	shalt  }
0x6b: {  	_ =	shalt  }
0x6c: {  	_ =	shalt  }
0x6d: {  	_ =	shalt  }
0x6e: {  	_ =	shalt  }
0x6f: {  	_ =	shalt  }
0x70: {  	_ =	shalt  }
0x71: {  	_ =	shalt  }
0x72: {  	_ =	shalt  }
0x73: {  	_ =	shalt  }
0x74: {  	_ =	shalt  }
0x75: {  	_ =	shalt  }
0x76: {  	_ =	shalt  }
0x77: {  	_ =	shalt  }
0x78: {  	_ =	shalt  }
0x79: {  	_ =	shalt  }
0x7a: {  	_ =	shalt  }
0x7b: {  	_ =	shalt  }
0x7c: {  	_ =	shalt  }
0x7d: {  	_ =	shalt  }
0x7e: {  	_ =	shalt  }
0x7f: {  	_ =	shalt  }
0x80: {  	_ =	shalt  }
0x81: {  	_ =	shalt  }
0x82: {  	_ =	shalt  }
0x83: {  	_ =	shalt  }
0x84: {  	_ =	shalt  }
0x85: {  	_ =	shalt  }
0x86: {  	_ =	shalt  }
0x87: {  	_ =	shalt  }
.Lfunc_end0:
.L_simem_size_0:
called_computation.2_lowered:
.L_overlay_start_0:
0x88: {  	s2 =	sld [smem:$0x3FD9]  }
0x89: {  	s3 =	sld [smem:$0x3FFE];
	_ =	sdelay $0x1  }
0x8a: {  	s1 =	srdreg.scid  }
0x8b: {  	s0 =	sand.u32 $0x1, s1  }
0x8c: {  	s16 =	sshll.u32 s0, $0xA;
	s2 =	sadd.s32 s3, s2  }
0x8d: {  	s2 =	sadd.s32 s2, s16  }
0x8e: {  	[smem:$0x3FB9] =	sst s2  }
0x8f: {  	_ = 	snop  }
0x90: {  	(tm) =	ssettm $0x1  }
0x91: {  	s17 =	sld [smem:$0x3FFB];
	_ =	sdelay $0x3  }
0x92: {  	_ =	strace s17  }
0x93: {  	s2 =	sld [smem:$0x3FFC];
	_ =	sdelay $0x3  }
0x94: {  	_ =	strace s2  }
0x95: {  	s2 =	sld [smem:$0x3FFD];
	_ =	sdelay $0x3  }
0x96: {  	_ =	strace s2  }
0x97: {  	_ =	strace $0x8FFFFFFF  }
0x98: {  	s18 =	sld [smem:$0x3FDB];
	_ =	sdelay $0x1  }
0x99: {  	s19 =	simm.s32 $_scs_section_size  }
0x9a: {  	s4 =	simm.s32 $_size__tile_overlayer_lowered;
	s5 =	simm.s32 $_tile_overlayer_lowered  }
0x9b: {  	s22 =	simm.s32 $0x1BFF;
	s21 =	sshll.u32 s5, $0x1;
	s2 =	sadd.s32 s19, s18  }
0x9c: {  	s6 =	simm.s32 $0x0;
	s20 =	sshll.u32 s4, $0x1;
	s4 =	sadd.s32 s21, s2  }
0x9d: {  	[timem:s6], [sflag:s22] =	dma.local [hbm:s4], s20  }
0x9e: {  	_ =	swait.ge [sflag:s22], s20  }
0x9f: {  	s3 =	ssub.s32 $0x0, s20;
	[sflag:s22] =	ssyncset.done $0x0  }
0xa0: {  	[sflag:s22] =	ssyncadd.s32 s3;
	_ =	sdelay $0x1  }
0xa1: {  	s23 =	simm.s32 $0x1B8B  }
0xa2: {  	_ =	swait.ge [sflag:s23], $0x1  }
0xa3: {  	[sflag:s23] =	ssyncset.done $0x0  }
0xa4: {  	s25 =	simm.s32 $0x1B8E;
	s24 =	sld [smem:$0x3FFE];
	[sflag:s23] =	ssyncadd.s32 $0xFFFFFFFF  }
0xa5: {  	s26 =	simm.s32 $execute0_lowered;
	[smem:$0x3FD2] =	sst s25  }
0xa6: {  	s4 =	sshll.u32 s26, $0x1;
	_ =	strace $0x8000004C;
	[dreg:$0x1] =	wrdreg $0xFFFFFFFF  }
0xa7: {  	s28 =	simm.s32 $_size_execute0_lowered;
	s2 =	sadd.s32 s2, s4;
	[dreg:$0x0] =	wrdreg $0x0  }
0xa8: {  	s4 =	sshll.u32 s28, $0x1;
	[dreg:$0x2] =	wrdreg s2  }
0xa9: {  	[dreg:$0x3] =	wrdreg s4  }
0xaa: {  	[dreg:$0x4] =	wrdreg $0xC0  }
0xab: {  	_ =	task [dreg:s6], $0x5FFFF  }
0xac: {  	[dreg:$0x1] =	wrdreg $0xFFFFFFFF  }
0xad: {  	[dreg:$0x0] =	wrdreg $0x60  }
0xae: {  	[dreg:$0x2] =	wrdreg s24  }
0xaf: {  	[dreg:$0x3] =	wrdreg $0xAC000  }
0xb0: {  	[dreg:$0x4] =	wrdreg $0x9  }
0xb1: {  	_ =	task.clear_ibuf [dreg:s6], $0x5FFFF;
	_ =	strace $0x9000004C  }
0xb2: {  	s29 =	simm.s32 $0x9;
	_ =	strace $0x8000004E  }
0xb3: {  	_ =	swait.ge [sflag:s29], $0x1  }
0xb4: {  	[sflag:s29] =	ssyncadd.s32 $0xFFFFFFFF  }
0xb5: {  	_ =	strace $0x9000004E  }
0xb6: {  	_ =	sfence  }
0xb7: {  	s30 =	sld [smem:$0x0];
	_ =	sdelay $0x2  }
0xb8: {  	s31 =	sshll.u32 s1, $0xD;
	s1 =	sshrl.u32 s1, $0x2  }
0xb9: {  	s3 =	sand.u32 $0x4000, s31;
	s1 =	sadd.s32 s1, s30  }
0xba: {  	s0 =	sor.u32 s3, s0;
	s1 =	sshll.u32 s1, $0x11  }
0xbb: {  	s0 =	sor.u32 s1, s0  }
0xbc: {  	s0 =	sadd.s32 $0x8F2B, s0  }
0xbd: {  	[sflag:s0] =	ssyncadd.remote.s32 $0x1  }
0xbe: {  	_ =	sfence.sel $0xFFFF  }
0xbf: {  	[dreg:$0x0] =	wrdreg $0xFFFFFFFF;
	(pc) =	sbr.abs _section_cstart, $3  }
0xc0: {  	[dreg:$0x1] =	wrdreg $0xFFFFFFFF  }
0xc1: {  	_ =	task.clear_ibuf [dreg:s6], $0x2FFFF;
	_ =	strace $0x9FFFFFFF  }
0xc2: {  	(tm) =	ssettm $0x7FFFFFFF  }
0xc3: {  	_ =	shalt  }
tec
execute0_lowered:
.L_overlay_start_1:
0x0: {  	(tag) =	ssettag $0x1  }
0x1: {  	s7 =	rddreg [dreg:$0x0]  }
0x2: {  	s0 =	srdreg.scid;
	s2 =	rddreg [dreg:$0x1]  }
0x3: {  	s3 =	simm.s32 $0x0;
	s14 =	simm.s32 $0x2C00;
	s15 =	simm.s32 $0x1  }
0x4: {  	s16 =	simm.s32 $0x2800;
	s18 =	simm.s32 $0x2880;
	s17 =	simm.s32 $0x6C00  }
0x5: {  	s20 =	simm.s32 $0x2900;
	s19 =	simm.s32 $0x3;
	s6 =	sand.u32 $0x1, s0  }
0x6: {  	s21 =	simm.s32 $0x2A00;
	s0 =	stileid.u32;
	s5 =	smul.u32 $0x28000, s6  }
0x7: {  	s22 =	simm.s32 $0x2A80;
	s23 =	simm.s32 $0x2B00;
	s8 =	smul.u32 $0x2800, s0  }
0x8: {  	s24 =	simm.s32 $0x2B80;
	s25 =	simm.s32 $0x0;
	s9 =	smul.u32 $0x140000, s6  }
0x9: {  	[smem:$0x7FF] =	sst s3;
	s1 =	sshll.u32 s6, $0x4;
	s28 =	smul.u32 $0x14000, s0  }
0xa: {  	s29 =	smul.u32 $0x50000, s0;
	s6 =	ssub.s32 $0x2, s6;
	s1 =	sor.u32 s0, s1  }
0xb: {  	s31 =	sshll.u32 s0, $0x6;
	s30 =	sshrl.u32 s6, $0x1;
	s4 =	smul.u32 $0x2800, s1  }
0xc: {  	s1 =	rddreg [dreg:$0x2];
	_ =	strace $0x8000004D;
	s5 =	sadd.s32 s8, s5  }
0xd: {  	s8 =	sadd.s32 s28, s9;
	s9 =	sshrl.u32 s29, $0x2;
	s12 =	ssub.s32 s6, s30  }
0xe: {  	s6 =	sor.u32 $0x1C04, s31;
	[dreg:$0x3] =	wrdreg s18;
	s18 =	simm.s32 $0x2  }
0xf: {  	[dreg:$0x4] =	wrdreg s20;
	s20 =	simm.s32 $0x2980;
	s5 =	sshrl.u32 s5, $0x3  }
0x10: {  	s8 =	sshrl.u32 s8, $0x3;
	s13 =	sadd.s32 s9, s2;
	s9 =	smax.u32 s12, $0x1  }
0x11: {  	s12 =	simm.s32 $0x4;
	s10 =	sshrl.u32 s4, $0x3;
	s4 =	sadd.s32 $0x6A200, s7  }
0x12: {  	s11 =	sadd.s32 s5, s7;
	s8 =	sadd.s32 s8, s7;
	s10 =	sadd.s32 s10, s7  }
0x13: {  	s5 =	sadd.s32 $0xD200, s7;
	s8 =	sadd.s32 $0x91400, s8;
	s7 =	sadd.s32 $0x60200, s10  }
0x14: {  	s10 =	sadd.s32 $0x3200, s11;
	s11 =	sshrl.u32 s13, $0x3;
	s13 =	simm.s32 $0x7D  }
.LBB2_1:
0x15: {  	[spmem:s11], [sflag:s6] =	dma.local [hbm:s5], $0x2800  }
0x16: {  	_ =	swait.ge [sflag:s12], $0x2800  }
0x17: {  	[sflag:s12] =	ssyncset.done $0x0  }
0x18: {  	[sflag:s12] =	ssyncadd.s32 $0xFFFFD800  }
0x19: {  	[tilespmem:s3], [sflag:$0x4] =	stream.linear.gather [hbm4b:s7+s3], $0x2800, $0x38;
	[tilespmem:$0x1EC00] =	vst v63  }
0x1a: {  	_ =	swait.ge [sflag:s12], $0x2800  }
0x1b: {  	[sflag:s12] =	ssyncset.done $0x0  }
0x1c: {  	[sflag:s12] =	ssyncadd.s32 $0xFFFFD800  }
0x1d: {  	[bflag:$0x0] =	sbarrier.arrive $0xFFFF  }
0x1e: {  	[tilespmem:s14], [sflag:$0x1] =	stream.indirect.gather [hbm4b:s4+s13], $0x80, s3, s13, $0xb8;
	[tilespmem:$0x1EC00] =	vst v63  }
0x1f: {  	_ =	swait.ge [sflag:s15], $0x3E80  }
0x20: {  	[sflag:s15] =	ssyncset.done $0x0  }
0x21: {  	[sflag:s15] =	ssyncadd.s32 $0xFFFFC180  }
0x22: {  	[tilespmem:s16], [sflag:$0x4] =	stream.linear.gather [hbm4b:s10+s3], $0x400, $0x38;
	[tilespmem:$0x1EC00] =	vst v63  }
0x23: {  	_ =	swait.ge [sflag:s12], $0x400  }
0x24: {  	[sflag:s12] =	ssyncset.done $0x0  }
0x25: {  	[sflag:s12] =	ssyncadd.s32 $0xFFFFFC00  }
0x26: {  	[spmem:s2] =	stream.indirect.scatter.add.f32 [tilespmem:s14], [sflag:$0x2], $0x80, s16, s13, $0xb8;
	[tilespmem:$0x1EC00] =	vst v63  }
0x27: {  	s26 =	simm.s32 $0x80  }
0x28: {  	[tilespmem:s17], [sflag:$0x1] =	stream.indirect.gather [hbm4b:s4+s13], $0x80, s26, s13, $0xb8;
	[tilespmem:$0x1EC00] =	vst v63  }
0x29: {  	_ =	swait.ge [sflag:s15], $0x3E80  }
0x2a: {  	[sflag:s15] =	ssyncset.done $0x0  }
0x2b: {  	s30 =	rddreg [dreg:$0x3];
	[sflag:s15] =	ssyncadd.s32 $0xFFFFC180  }
0x2c: {  	[spmem:s2] =	stream.indirect.scatter.add.f32 [tilespmem:s17], [sflag:$0x3], $0x80, s30, s13, $0xb8;
	[tilespmem:$0x1EC00] =	vst v63  }
0x2d: {  	_ =	swait.ge [sflag:s18], $0x3E80  }
0x2e: {  	[sflag:s18] =	ssyncset.done $0x0  }
0x2f: {  	s31 =	simm.s32 $0x100;
	[sflag:s18] =	ssyncadd.s32 $0xFFFFC180  }
0x30: {  	[tilespmem:s14], [sflag:$0x1] =	stream.indirect.gather [hbm4b:s4+s13], $0x80, s31, s13, $0xb8;
	[tilespmem:$0x1EC00] =	vst v63  }
0x31: {  	_ =	swait.ge [sflag:s15], $0x3E80  }
0x32: {  	[sflag:s15] =	ssyncset.done $0x0  }
0x33: {  	[sflag:s15] =	ssyncadd.s32 $0xFFFFC180  }
0x34: {  	_ =	swait.ge [sflag:s19], $0x3E80  }
0x35: {  	[sflag:s19] =	ssyncset.done $0x0  }
0x36: {  	s29 =	rddreg [dreg:$0x4];
	[sflag:s19] =	ssyncadd.s32 $0xFFFFC180  }
0x37: {  	[spmem:s2] =	stream.indirect.scatter.add.f32 [tilespmem:s14], [sflag:$0x2], $0x80, s29, s13, $0xb8;
	[tilespmem:$0x1EC00] =	vst v63  }
0x38: {  	s30 =	simm.s32 $0x180  }
0x39: {  	[tilespmem:s17], [sflag:$0x1] =	stream.indirect.gather [hbm4b:s4+s13], $0x80, s30, s13, $0xb8;
	[tilespmem:$0x1EC00] =	vst v63  }
0x3a: {  	_ =	swait.ge [sflag:s15], $0x3E80  }
0x3b: {  	[sflag:s15] =	ssyncset.done $0x0  }
0x3c: {  	[sflag:s15] =	ssyncadd.s32 $0xFFFFC180  }
0x3d: {  	[spmem:s2] =	stream.indirect.scatter.add.f32 [tilespmem:s17], [sflag:$0x3], $0x80, s20, s13, $0xb8;
	[tilespmem:$0x1EC00] =	vst v63  }
0x3e: {  	_ =	swait.ge [sflag:s18], $0x3E80  }
0x3f: {  	[sflag:s18] =	ssyncset.done $0x0  }
0x40: {  	s31 =	simm.s32 $0x200;
	[sflag:s18] =	ssyncadd.s32 $0xFFFFC180  }
0x41: {  	[tilespmem:s14], [sflag:$0x1] =	stream.indirect.gather [hbm4b:s4+s13], $0x80, s31, s13, $0xb8;
	[tilespmem:$0x1EC00] =	vst v63  }
0x42: {  	_ =	swait.ge [sflag:s15], $0x3E80  }
0x43: {  	[sflag:s15] =	ssyncset.done $0x0  }
0x44: {  	[sflag:s15] =	ssyncadd.s32 $0xFFFFC180  }
0x45: {  	_ =	swait.ge [sflag:s19], $0x3E80  }
0x46: {  	[sflag:s19] =	ssyncset.done $0x0  }
0x47: {  	[sflag:s19] =	ssyncadd.s32 $0xFFFFC180  }
0x48: {  	[spmem:s2] =	stream.indirect.scatter.add.f32 [tilespmem:s14], [sflag:$0x2], $0x80, s21, s13, $0xb8;
	[tilespmem:$0x1EC00] =	vst v63  }
0x49: {  	s29 =	simm.s32 $0x280  }
0x4a: {  	[tilespmem:s17], [sflag:$0x1] =	stream.indirect.gather [hbm4b:s4+s13], $0x80, s29, s13, $0xb8;
	[tilespmem:$0x1EC00] =	vst v63  }
0x4b: {  	_ =	swait.ge [sflag:s15], $0x3E80  }
0x4c: {  	[sflag:s15] =	ssyncset.done $0x0  }
0x4d: {  	[sflag:s15] =	ssyncadd.s32 $0xFFFFC180  }
0x4e: {  	[spmem:s2] =	stream.indirect.scatter.add.f32 [tilespmem:s17], [sflag:$0x3], $0x80, s22, s13, $0xb8;
	[tilespmem:$0x1EC00] =	vst v63  }
0x4f: {  	_ =	swait.ge [sflag:s18], $0x3E80  }
0x50: {  	[sflag:s18] =	ssyncset.done $0x0  }
0x51: {  	s30 =	simm.s32 $0x300;
	[sflag:s18] =	ssyncadd.s32 $0xFFFFC180  }
0x52: {  	[tilespmem:s14], [sflag:$0x1] =	stream.indirect.gather [hbm4b:s4+s13], $0x80, s30, s13, $0xb8;
	[tilespmem:$0x1EC00] =	vst v63  }
0x53: {  	_ =	swait.ge [sflag:s15], $0x3E80  }
0x54: {  	[sflag:s15] =	ssyncset.done $0x0  }
0x55: {  	[sflag:s15] =	ssyncadd.s32 $0xFFFFC180  }
0x56: {  	_ =	swait.ge [sflag:s19], $0x3E80  }
0x57: {  	[sflag:s19] =	ssyncset.done $0x0  }
0x58: {  	[sflag:s19] =	ssyncadd.s32 $0xFFFFC180  }
0x59: {  	[spmem:s2] =	stream.indirect.scatter.add.f32 [tilespmem:s14], [sflag:$0x2], $0x80, s23, s13, $0xb8;
	[tilespmem:$0x1EC00] =	vst v63  }
0x5a: {  	s31 =	simm.s32 $0x380  }
0x5b: {  	[tilespmem:s17], [sflag:$0x1] =	stream.indirect.gather [hbm4b:s4+s13], $0x80, s31, s13, $0xb8;
	[tilespmem:$0x1EC00] =	vst v63  }
0x5c: {  	_ =	swait.ge [sflag:s15], $0x3E80  }
0x5d: {  	[sflag:s15] =	ssyncset.done $0x0  }
0x5e: {  	[sflag:s15] =	ssyncadd.s32 $0xFFFFC180  }
0x5f: {  	[spmem:s2] =	stream.indirect.scatter.add.f32 [tilespmem:s17], [sflag:$0x3], $0x80, s24, s13, $0xb8;
	[tilespmem:$0x1EC00] =	vst v63  }
0x60: {  	p0 =	por $0x0, $0x0;
	_ =	swait.ge [sflag:s18], $0x3E80  }
0x61: {  	s28 =	simm.s32 @!p0 $0x400;
	[sflag:s18] =	ssyncset.done $0x0  }
0x62: {  	s26 =	simm.s32 @!p0 $0x7D;
	s29 =	simm.s32 @!p0 $0x2C00;
	[sflag:s18] =	ssyncadd.s32 $0xFFFFC180  }
0x63: {  	[tilespmem:s29], [sflag:$0x1] =	stream.indirect.gather @!p0 [hbm4b:s4+s26], $0x80, s28, s26, $0xb8;
	[tilespmem:$0x1EC00] =	vst v63  }
0x64: {  	s26 =	simm.s32 @!p0 $0x1  }
0x65: {  	_ =	swait.ge @!p0 [sflag:s26], $0x3E80  }
0x66: {  	[sflag:s26] =	ssyncset.done @!p0 $0x0  }
0x67: {  	[sflag:s26] =	ssyncadd.s32 @!p0 $0xFFFFC180  }
0x68: {  	s28 =	smov.u32 s10;
	s26 =	simm.s32 $0x1000;
	_ =	swait.ge [sflag:s19], $0x3E80  }
.LBB2_2:
0x69: {  	[sflag:s19] =	ssyncset.done $0x0  }
0x6a: {  	s28 =	sadd.s32 $0x80, s28;
	[sflag:s19] =	ssyncadd.s32 $0xFFFFC180  }
0x6b: {  	[tilespmem:s16], [sflag:$0x4] =	stream.linear.gather [hbm4b:s28+s3], $0x400, $0x38;
	[tilespmem:$0x1EC00] =	vst v63  }
0x6c: {  	_ =	swait.ge [sflag:s12], $0x400  }
0x6d: {  	s29 =	smov.u32 s26;
	[sflag:s12] =	ssyncset.done $0x0  }
0x6e: {  	s30 =	sshra.s32 s29, $0x2;
	[sflag:s12] =	ssyncadd.s32 $0xFFFFFC00  }
0x6f: {  	[spmem:s2] =	stream.indirect.scatter.add.f32 [tilespmem:s14], [sflag:$0x2], $0x80, s16, s13, $0xb8;
	[tilespmem:$0x1EC00] =	vst v63  }
0x70: {  	s31 =	sadd.s32 $0x80, s30  }
0x71: {  	[tilespmem:s17], [sflag:$0x1] =	stream.indirect.gather [hbm4b:s4+s13], $0x80, s31, s13, $0xb8;
	[tilespmem:$0x1EC00] =	vst v63  }
0x72: {  	_ =	swait.ge [sflag:s15], $0x3E80  }
0x73: {  	[sflag:s15] =	ssyncset.done $0x0  }
0x74: {  	s31 =	rddreg [dreg:$0x3];
	[sflag:s15] =	ssyncadd.s32 $0xFFFFC180  }
0x75: {  	[spmem:s2] =	stream.indirect.scatter.add.f32 [tilespmem:s17], [sflag:$0x3], $0x80, s31, s13, $0xb8;
	[tilespmem:$0x1EC00] =	vst v63  }
0x76: {  	_ =	swait.ge [sflag:s18], $0x3E80  }
0x77: {  	[sflag:s18] =	ssyncset.done $0x0  }
0x78: {  	s31 =	sadd.s32 $0x100, s30;
	[sflag:s18] =	ssyncadd.s32 $0xFFFFC180  }
0x79: {  	[tilespmem:s14], [sflag:$0x1] =	stream.indirect.gather [hbm4b:s4+s13], $0x80, s31, s13, $0xb8;
	[tilespmem:$0x1EC00] =	vst v63  }
0x7a: {  	_ =	swait.ge [sflag:s15], $0x3E80  }
0x7b: {  	[sflag:s15] =	ssyncset.done $0x0  }
0x7c: {  	[sflag:s15] =	ssyncadd.s32 $0xFFFFC180  }
0x7d: {  	_ =	swait.ge [sflag:s19], $0x3E80  }
0x7e: {  	[sflag:s19] =	ssyncset.done $0x0  }
0x7f: {  	s31 =	rddreg [dreg:$0x4];
	[sflag:s19] =	ssyncadd.s32 $0xFFFFC180  }
0x80: {  	[spmem:s2] =	stream.indirect.scatter.add.f32 [tilespmem:s14], [sflag:$0x2], $0x80, s31, s13, $0xb8;
	[tilespmem:$0x1EC00] =	vst v63  }
0x81: {  	s31 =	sadd.s32 $0x180, s30  }
0x82: {  	[tilespmem:s17], [sflag:$0x1] =	stream.indirect.gather [hbm4b:s4+s13], $0x80, s31, s13, $0xb8;
	[tilespmem:$0x1EC00] =	vst v63  }
0x83: {  	_ =	swait.ge [sflag:s15], $0x3E80  }
0x84: {  	[sflag:s15] =	ssyncset.done $0x0  }
0x85: {  	[sflag:s15] =	ssyncadd.s32 $0xFFFFC180  }
0x86: {  	[spmem:s2] =	stream.indirect.scatter.add.f32 [tilespmem:s17], [sflag:$0x3], $0x80, s20, s13, $0xb8;
	[tilespmem:$0x1EC00] =	vst v63  }
0x87: {  	_ =	swait.ge [sflag:s18], $0x3E80  }
0x88: {  	[sflag:s18] =	ssyncset.done $0x0  }
0x89: {  	s31 =	sadd.s32 $0x200, s30;
	[sflag:s18] =	ssyncadd.s32 $0xFFFFC180  }
0x8a: {  	[tilespmem:s14], [sflag:$0x1] =	stream.indirect.gather [hbm4b:s4+s13], $0x80, s31, s13, $0xb8;
	[tilespmem:$0x1EC00] =	vst v63  }
0x8b: {  	_ =	swait.ge [sflag:s15], $0x3E80  }
0x8c: {  	[sflag:s15] =	ssyncset.done $0x0  }
0x8d: {  	[sflag:s15] =	ssyncadd.s32 $0xFFFFC180  }
0x8e: {  	_ =	swait.ge [sflag:s19], $0x3E80  }
0x8f: {  	[sflag:s19] =	ssyncset.done $0x0  }
0x90: {  	[sflag:s19] =	ssyncadd.s32 $0xFFFFC180  }
0x91: {  	[spmem:s2] =	stream.indirect.scatter.add.f32 [tilespmem:s14], [sflag:$0x2], $0x80, s21, s13, $0xb8;
	[tilespmem:$0x1EC00] =	vst v63  }
0x92: {  	s31 =	sadd.s32 $0x280, s30  }
0x93: {  	[tilespmem:s17], [sflag:$0x1] =	stream.indirect.gather [hbm4b:s4+s13], $0x80, s31, s13, $0xb8;
	[tilespmem:$0x1EC00] =	vst v63  }
0x94: {  	_ =	swait.ge [sflag:s15], $0x3E80  }
0x95: {  	[sflag:s15] =	ssyncset.done $0x0  }
0x96: {  	[sflag:s15] =	ssyncadd.s32 $0xFFFFC180  }
0x97: {  	[spmem:s2] =	stream.indirect.scatter.add.f32 [tilespmem:s17], [sflag:$0x3], $0x80, s22, s13, $0xb8;
	[tilespmem:$0x1EC00] =	vst v63  }
0x98: {  	_ =	swait.ge [sflag:s18], $0x3E80  }
0x99: {  	[sflag:s18] =	ssyncset.done $0x0  }
0x9a: {  	s31 =	sadd.s32 $0x300, s30;
	[sflag:s18] =	ssyncadd.s32 $0xFFFFC180  }
0x9b: {  	[tilespmem:s14], [sflag:$0x1] =	stream.indirect.gather [hbm4b:s4+s13], $0x80, s31, s13, $0xb8;
	[tilespmem:$0x1EC00] =	vst v63  }
0x9c: {  	_ =	swait.ge [sflag:s15], $0x3E80  }
0x9d: {  	[sflag:s15] =	ssyncset.done $0x0  }
0x9e: {  	[sflag:s15] =	ssyncadd.s32 $0xFFFFC180  }
0x9f: {  	_ =	swait.ge [sflag:s19], $0x3E80  }
0xa0: {  	[sflag:s19] =	ssyncset.done $0x0  }
0xa1: {  	[sflag:s19] =	ssyncadd.s32 $0xFFFFC180  }
0xa2: {  	[spmem:s2] =	stream.indirect.scatter.add.f32 [tilespmem:s14], [sflag:$0x2], $0x80, s23, s13, $0xb8;
	[tilespmem:$0x1EC00] =	vst v63  }
0xa3: {  	s30 =	sadd.s32 $0x380, s30  }
0xa4: {  	[tilespmem:s17], [sflag:$0x1] =	stream.indirect.gather [hbm4b:s4+s13], $0x80, s30, s13, $0xb8;
	[tilespmem:$0x1EC00] =	vst v63  }
0xa5: {  	_ =	swait.ge [sflag:s15], $0x3E80  }
0xa6: {  	[sflag:s15] =	ssyncset.done $0x0  }
0xa7: {  	p1 =	seq.s32 s29, $0x9000;
	[sflag:s15] =	ssyncadd.s32 $0xFFFFC180  }
0xa8: {  	[spmem:s2] =	stream.indirect.scatter.add.f32 [tilespmem:s17], [sflag:$0x3], $0x80, s24, s13, $0xb8;
	[tilespmem:$0x1EC00] =	vst v63  }
0xa9: {  	s26 =	sadd.s32 $0x1000, s26;
	s29 =	sshra.s32 @!p1 s29, $0x2;
	_ =	swait.ge [sflag:s18], $0x3E80  }
0xaa: {  	p0 =	sne.s32 s26, $0xA000;
	s29 =	sadd.s32 @!p1 $0x400, s29;
	[sflag:s18] =	ssyncset.done $0x0  }
0xab: {  	s31 =	simm.s32 @!p1 $0x2C00;
	s30 =	simm.s32 @!p1 $0x7D;
	[sflag:s18] =	ssyncadd.s32 $0xFFFFC180  }
0xac: {  	[tilespmem:s31], [sflag:$0x1] =	stream.indirect.gather @!p1 [hbm4b:s4+s30], $0x80, s29, s30, $0xb8;
	[tilespmem:$0x1EC00] =	vst v63  }
.Ltmp0:
0xad: {  	s29 =	simm.s32 @!p1 $0x1;
	(pc) =	sbr.rel @p0 .LBB2_2-.Ltmp0, $4  }
0xae: {  	_ =	swait.ge @!p1 [sflag:s29], $0x3E80  }
0xaf: {  	[sflag:s29] =	ssyncset.done @!p1 $0x0  }
0xb0: {  	[sflag:s29] =	ssyncadd.s32 @!p1 $0xFFFFC180  }
0xb1: {  	_ =	swait.ge [sflag:s19], $0x3E80  }
0xb2: {  	[sflag:s19] =	ssyncset.done $0x0;
	s25 =	sadd.s32 $0x1, s25  }
0xb3: {  	[sflag:s19] =	ssyncadd.s32 $0xFFFFC180;
	p0 =	sne.s32 s25, s9  }
.Ltmp1:
0xb4: {  	[bflag:$0x0] =	sbarrier.arrive $0xFFFF;
	(pc) =	sbr.rel @p0 .LBB2_1-.Ltmp1, $4  }
0xb5: {  	[hbm:s8], [sflag:s6] =	dma.local [spmem:s11], $0x2800  }
0xb6: {  	_ =	swait.ge [sflag:s12], $0x2800  }
0xb7: {  	[sflag:s12] =	ssyncset.done $0x0  }
0xb8: {  	[sflag:s12] =	ssyncadd.s32 $0xFFFFD800  }
0xb9: {  	_ =	sfence.sel $0x180000  }
0xba: {  	[bflag:$0x0] =	sbarrier.arrive $0xFFFF  }
0xbb: {  	p0 =	sne.s32 s0, $0x0;
	_ =	strace $0x9000004D  }
0xbc: {  	s0 =	sadd.s32 @!p0 $0x100000, s1;
	[bflag:$0x2] =	sbarrier.arrive $0xFFFF  }
0xbd: {  	[sflag:s0] =	ssyncadd.tile.s32 @!p0 $0x1;
	_ =	shalt  }
.Lfunc_end2:
_tile_overlayer_lowered:
.L_overlay_start_2:
0xbe: {  	(tag) =	ssettag $0x2  }
0xbf: {  	s0 =	rddreg [dreg:$0x0];
	s2 =	stileid.u32  }
0xc0: {  	s1 =	rddreg [dreg:$0x1];
	p0 =	sne.s32 s2, $0x0  }
0xc1: {  	s3 =	rddreg [dreg:$0x2];
	[bflag:$0x3] =	sbarrier.arrive $0xFFFF;
	s2 =	simm.s32 @!p0 $0x1C04  }
0xc2: {  	[timem:s3], [sflag:s2] =	dma.local @!p0 [hbm:s0], s1  }
0xc3: {  	s0 =	simm.s32 @!p0 $0x4  }
0xc4: {  	_ =	swait.ge @!p0 [sflag:s0], s1  }
0xc5: {  	s1 =	ssub.s32 @!p0 $0x0, s1;
	[sflag:s0] =	ssyncset.done @!p0 $0x0  }
0xc6: {  	[sflag:s0] =	ssyncadd.s32 @!p0 s1  }
0xc7: {  	[bflag:$0x3] =	sbarrier.arrive $0xFFFF  }
0xc8: {  	_ =	shalt  }

// kernel: kernel.8.cloned.1.call-start
scs
__scs_entry_jumppad:
0x0: {  	(pc) =	sbr.rel $0x88, $3  }
0x1: {  	(tag) =	ssettag $0x0;
	lr =	simm.s32 $0x1  }
0x2: {  	[smem:$0x3F92] =	sst lr;
	_ =	strace $0xD0000000  }
0x3: {  	_ = 	snop  }
0x4: {  	_ = 	snop  }
0x5: {  	_ = 	snop  }
0x6: {  	_ = 	snop  }
0x7: {  	_ = 	snop  }
__scs_overlays_trampoline_lowered:
0x8: {  	[smem:$0x3FA1] =	sst s0  }
0x9: {  	[smem:$0x3FA2] =	sst s1  }
0xa: {  	[smem:$0x3FA3] =	sst s2  }
0xb: {  	[smem:$0x3FA4] =	sst s3  }
0xc: {  	[smem:$0x3FA5] =	sst s4  }
0xd: {  	[smem:$0x3FA6] =	sst s5  }
0xe: {  	[smem:$0x3FA7] =	sst s6  }
0xf: {  	[smem:$0x3FA8] =	sst s7  }
0x10: {  	[smem:$0x3FA9] =	sst s8  }
0x11: {  	[smem:$0x3FAA] =	sst s9;
	s0 =	simm.s32 @!p0 $0x0  }
0x12: {  	s1 =	sld [smem:$0x3F90];
	s0 =	simm.s32 @p0 $0x1  }
0x13: {  	[smem:$0x3FAB] =	sst s0;
	s0 =	simm.s32 @!p1 $0x0  }
0x14: {  	s2 =	sld [smem:$0x3F8F];
	s0 =	simm.s32 @p1 $0x1  }
0x15: {  	[smem:$0x3FAC] =	sst s0;
	s0 =	simm.s32 @!p2 $0x0  }
0x16: {  	s3 =	sld [smem:$0x3FDB];
	s0 =	simm.s32 @p2 $0x1  }
0x17: {  	s4 =	simm.s32 $0x1BF5;
	[smem:$0x3FAE] =	sst s0  }
0x18: {  	s0 =	sld [smem:$0x3F91];
	_ =	swait.ge [sflag:s4], $0x0  }
0x19: {  	s7 =	sld [smem:$0x3F92]  }
0x1a: {  	s8 =	sadd.s32 $0xFFFFE003, lr  }
0x1b: {  	s9 =	sadd.s32 $0xFFFFFEF7, lr;
	s5 =	simm.s32 $0xFFFFFFFF;
	p2 =	slt.u32 s8, $0xFFFFF086  }
0x1c: {  	p1 =	slt.u32 s9, $0xF7A;
	s5 =	simm.s32 @!p2 $0x0  }
0x1d: {  	s5 =	simm.s32 @p1 $0x1;
	p0 =	seq.s32 s7, s2  }
0x1e: {  	s7 =	smul.u32 @!p0 $0xF7A, s2;
	p2 =	seq.s32 @!p0 s5, $0x0  }
0x1f: {  	s9 =	smul.u32 $0xF7A, s1;
	s8 =	simm.s32 @!p0 $0x1BF5;
	p2 =	por !p2, p0  }
0x20: {  	[sflag:s8] =	ssyncset.s32 @!p0 $0xFFFFF086;
	s6 =	sadd.s32 @!p0 s3, s7;
	s7 =	simm.s32 @!p0 $0x108  }
0x21: {  	s3 =	sadd.s32 s3, s9;
	s6 =	sadd.s32 @!p0 $0x88, s6;
	s7 =	simm.s32 @p2 $0x1082  }
0x22: {  	[simem:s7], [sflag:s8] =	dma.local @!p0 [hbm:s6], $0xF7A  }
0x23: {  	s9 =	sor.u32 $0xD0000000, s2;
	s6 =	simm.s32 $0x108;
	_ =	swait.ge @!p0 [sflag:s8], $0x0  }
0x24: {  	s3 =	sadd.s32 $0x88, s3;
	s6 =	simm.s32 @!p1 $0x1082;
	[sflag:s4] =	ssyncset.s32 $0xFFFFF086  }
0x25: {  	[simem:s6], [sflag:s4] =	dma.local [hbm:s3], $0xF7A  }
0x26: {  	[smem:$0x3F92] =	sst s1;
	(tag) =	ssettag s2;
	_ =	strace s9  }
0x27: {  	s1 =	sld [smem:$0x3FA2]  }
0x28: {  	s2 =	sld [smem:$0x3FA3]  }
0x29: {  	s4 =	sld [smem:$0x3FA5]  }
0x2a: {  	p0 =	seq.s32 s5, $0x0;
	s5 =	sld [smem:$0x3FA6]  }
0x2b: {  	s6 =	sld [smem:$0x3FA7]  }
0x2c: {  	s7 =	sld [smem:$0x3FA8]  }
0x2d: {  	s3 =	simm.s32 $0x108;
	s8 =	sld [smem:$0x3FA9]  }
0x2e: {  	s3 =	simm.s32 @!p0 $0x1082;
	s9 =	sld [smem:$0x3FAA]  }
0x2f: {  	lr =	sadd.s32 s0, s3;
	s0 =	sld [smem:$0x3FA1]  }
0x30: {  	s3 =	sld [smem:$0x3FA4]  }
0x31: {  	[smem:$0x3FAD] =	sst s10  }
0x32: {  	s10 =	sld [smem:$0x3FAB];
	_ =	sdelay $0x3  }
0x33: {  	p0 =	seq.s32 s10, $0x1;
	s10 =	sld [smem:$0x3FAD];
	_ =	sdelay $0x3  }
0x34: {  	[smem:$0x3FAD] =	sst s10  }
0x35: {  	s10 =	sld [smem:$0x3FAC];
	_ =	sdelay $0x3  }
0x36: {  	p1 =	seq.s32 s10, $0x1;
	s10 =	sld [smem:$0x3FAD];
	_ =	sdelay $0x3  }
0x37: {  	[smem:$0x3FAD] =	sst s10  }
0x38: {  	s10 =	sld [smem:$0x3FAE]  }
0x39: {  	_ = 	snop;
	(pc) =	sbr.ind lr, $3  }
0x3a: {  	_ = 	snop  }
0x3b: {  	_ = 	snop  }
0x3c: {  	p2 =	seq.s32 s10, $0x1;
	s10 =	sld [smem:$0x3FAD]  }
0x3d: {  	_ =	shalt  }
0x3e: {  	_ =	shalt  }
0x3f: {  	_ =	shalt  }
0x40: {  	_ =	shalt  }
0x41: {  	_ =	shalt  }
0x42: {  	_ =	shalt  }
0x43: {  	_ =	shalt  }
0x44: {  	_ =	shalt  }
0x45: {  	_ =	shalt  }
0x46: {  	_ =	shalt  }
0x47: {  	_ =	shalt  }
0x48: {  	_ =	shalt  }
0x49: {  	_ =	shalt  }
0x4a: {  	_ =	shalt  }
0x4b: {  	_ =	shalt  }
0x4c: {  	_ =	shalt  }
0x4d: {  	_ =	shalt  }
0x4e: {  	_ =	shalt  }
0x4f: {  	_ =	shalt  }
0x50: {  	_ =	shalt  }
0x51: {  	_ =	shalt  }
0x52: {  	_ =	shalt  }
0x53: {  	_ =	shalt  }
0x54: {  	_ =	shalt  }
0x55: {  	_ =	shalt  }
0x56: {  	_ =	shalt  }
0x57: {  	_ =	shalt  }
0x58: {  	_ =	shalt  }
0x59: {  	_ =	shalt  }
0x5a: {  	_ =	shalt  }
0x5b: {  	_ =	shalt  }
0x5c: {  	_ =	shalt  }
0x5d: {  	_ =	shalt  }
0x5e: {  	_ =	shalt  }
0x5f: {  	_ =	shalt  }
0x60: {  	_ =	shalt  }
0x61: {  	_ =	shalt  }
0x62: {  	_ =	shalt  }
0x63: {  	_ =	shalt  }
0x64: {  	_ =	shalt  }
0x65: {  	_ =	shalt  }
0x66: {  	_ =	shalt  }
0x67: {  	_ =	shalt  }
0x68: {  	_ =	shalt  }
0x69: {  	_ =	shalt  }
0x6a: {  	_ =	shalt  }
0x6b: {  	_ =	shalt  }
0x6c: {  	_ =	shalt  }
0x6d: {  	_ =	shalt  }
0x6e: {  	_ =	shalt  }
0x6f: {  	_ =	shalt  }
0x70: {  	_ =	shalt  }
0x71: {  	_ =	shalt  }
0x72: {  	_ =	shalt  }
0x73: {  	_ =	shalt  }
0x74: {  	_ =	shalt  }
0x75: {  	_ =	shalt  }
0x76: {  	_ =	shalt  }
0x77: {  	_ =	shalt  }
0x78: {  	_ =	shalt  }
0x79: {  	_ =	shalt  }
0x7a: {  	_ =	shalt  }
0x7b: {  	_ =	shalt  }
0x7c: {  	_ =	shalt  }
0x7d: {  	_ =	shalt  }
0x7e: {  	_ =	shalt  }
0x7f: {  	_ =	shalt  }
0x80: {  	_ =	shalt  }
0x81: {  	_ =	shalt  }
0x82: {  	_ =	shalt  }
0x83: {  	_ =	shalt  }
0x84: {  	_ =	shalt  }
0x85: {  	_ =	shalt  }
0x86: {  	_ =	shalt  }
0x87: {  	_ =	shalt  }
.Lfunc_end0:
.L_simem_size_0:
called_computation_lowered:
.L_overlay_start_0:
0x88: {  	s2 =	sld [smem:$0x3FD9]  }
0x89: {  	s3 =	sld [smem:$0x3FFE];
	_ =	sdelay $0x1  }
0x8a: {  	s1 =	srdreg.scid  }
0x8b: {  	s0 =	sand.u32 $0x1, s1  }
0x8c: {  	s16 =	sshll.u32 s0, $0xA;
	s2 =	sadd.s32 s3, s2  }
0x8d: {  	s2 =	sadd.s32 s2, s16  }
0x8e: {  	[smem:$0x3FB9] =	sst s2  }
0x8f: {  	_ = 	snop  }
0x90: {  	(tm) =	ssettm $0x1  }
0x91: {  	s17 =	sld [smem:$0x3FFB];
	_ =	sdelay $0x3  }
0x92: {  	_ =	strace s17  }
0x93: {  	s2 =	sld [smem:$0x3FFC];
	_ =	sdelay $0x3  }
0x94: {  	_ =	strace s2  }
0x95: {  	s2 =	sld [smem:$0x3FFD];
	_ =	sdelay $0x3  }
0x96: {  	_ =	strace s2  }
0x97: {  	_ =	strace $0x8FFFFFFF  }
0x98: {  	s18 =	sld [smem:$0x3FDB];
	_ =	sdelay $0x1  }
0x99: {  	s19 =	simm.s32 $_scs_section_size  }
0x9a: {  	s4 =	simm.s32 $_size__tile_overlayer_lowered;
	s5 =	simm.s32 $_tile_overlayer_lowered  }
0x9b: {  	s22 =	simm.s32 $0x1BFF;
	s21 =	sshll.u32 s5, $0x1;
	s2 =	sadd.s32 s19, s18  }
0x9c: {  	s6 =	simm.s32 $0x0;
	s20 =	sshll.u32 s4, $0x1;
	s4 =	sadd.s32 s21, s2  }
0x9d: {  	[timem:s6], [sflag:s22] =	dma.local [hbm:s4], s20  }
0x9e: {  	_ =	swait.ge [sflag:s22], s20  }
0x9f: {  	s3 =	ssub.s32 $0x0, s20;
	[sflag:s22] =	ssyncset.done $0x0  }
0xa0: {  	[sflag:s22] =	ssyncadd.s32 s3;
	_ =	sdelay $0x1  }
0xa1: {  	s23 =	simm.s32 $0x1B8B  }
0xa2: {  	_ =	swait.ge [sflag:s23], $0x1  }
0xa3: {  	[sflag:s23] =	ssyncset.done $0x0  }
0xa4: {  	s25 =	simm.s32 $0x1B8E;
	s24 =	sld [smem:$0x3FFE];
	[sflag:s23] =	ssyncadd.s32 $0xFFFFFFFF  }
0xa5: {  	s26 =	simm.s32 $execute0_lowered;
	[smem:$0x3FD2] =	sst s25  }
0xa6: {  	s4 =	sshll.u32 s26, $0x1;
	_ =	strace $0x80000046;
	[dreg:$0x1] =	wrdreg $0xFFFFFFFF  }
0xa7: {  	s28 =	simm.s32 $_size_execute0_lowered;
	s2 =	sadd.s32 s2, s4;
	[dreg:$0x0] =	wrdreg $0x0  }
0xa8: {  	s4 =	sshll.u32 s28, $0x1;
	[dreg:$0x2] =	wrdreg s2  }
0xa9: {  	[dreg:$0x3] =	wrdreg s4  }
0xaa: {  	[dreg:$0x4] =	wrdreg $0xC0  }
0xab: {  	_ =	task [dreg:s6], $0x5FFFF  }
0xac: {  	[dreg:$0x1] =	wrdreg $0xFFFFFFFF  }
0xad: {  	[dreg:$0x0] =	wrdreg $0x60  }
0xae: {  	[dreg:$0x2] =	wrdreg s24  }
0xaf: {  	[dreg:$0x3] =	wrdreg $0x68000  }
0xb0: {  	[dreg:$0x4] =	wrdreg $0x9  }
0xb1: {  	_ =	task.clear_ibuf [dreg:s6], $0x5FFFF;
	_ =	strace $0x90000046  }
0xb2: {  	s29 =	simm.s32 $0x9;
	_ =	strace $0x80000048  }
0xb3: {  	_ =	swait.ge [sflag:s29], $0x1  }
0xb4: {  	[sflag:s29] =	ssyncadd.s32 $0xFFFFFFFF  }
0xb5: {  	_ =	strace $0x90000048  }
0xb6: {  	_ =	sfence  }
0xb7: {  	s30 =	sld [smem:$0x0];
	_ =	sdelay $0x2  }
0xb8: {  	s31 =	sshll.u32 s1, $0xD;
	s1 =	sshrl.u32 s1, $0x2  }
0xb9: {  	s3 =	sand.u32 $0x4000, s31;
	s1 =	sadd.s32 s1, s30  }
0xba: {  	s0 =	sor.u32 s3, s0;
	s1 =	sshll.u32 s1, $0x11  }
0xbb: {  	s0 =	sor.u32 s1, s0  }
0xbc: {  	s0 =	sadd.s32 $0x8F2B, s0  }
0xbd: {  	[sflag:s0] =	ssyncadd.remote.s32 $0x1  }
0xbe: {  	_ =	sfence.sel $0xFFFF  }
0xbf: {  	[dreg:$0x0] =	wrdreg $0xFFFFFFFF;
	(pc) =	sbr.abs _section_cstart, $3  }
0xc0: {  	[dreg:$0x1] =	wrdreg $0xFFFFFFFF  }
0xc1: {  	_ =	task.clear_ibuf [dreg:s6], $0x2FFFF;
	_ =	strace $0x9FFFFFFF  }
0xc2: {  	(tm) =	ssettm $0x7FFFFFFF  }
0xc3: {  	_ =	shalt  }
tec
execute0_lowered:
.L_overlay_start_1:
0x0: {  	(tag) =	ssettag $0x1  }
0x1: {  	s7 =	rddreg [dreg:$0x0]  }
0x2: {  	s0 =	srdreg.scid;
	s2 =	rddreg [dreg:$0x1]  }
0x3: {  	s3 =	simm.s32 $0x0;
	s12 =	simm.s32 $0x2800;
	s6 =	sand.u32 $0x1, s0  }
0x4: {  	s13 =	simm.s32 $0x7D;
	s0 =	stileid.u32;
	s5 =	smul.u32 $0x140000, s6  }
0x5: {  	s14 =	simm.s32 $0x0;
	[smem:$0x7FF] =	sst s3;
	s8 =	smul.u32 $0x14000, s0  }
0x6: {  	s1 =	sshll.u32 s6, $0x4;
	s10 =	smul.u32 $0x50000, s0;
	s6 =	ssub.s32 $0x2, s6  }
0x7: {  	s31 =	sshll.u32 s0, $0x6;
	s1 =	sor.u32 s0, s1;
	s30 =	sshrl.u32 s6, $0x1  }
0x8: {  	s4 =	smul.u32 $0x500, s1;
	s1 =	rddreg [dreg:$0x2];
	_ =	strace $0x80000047  }
0x9: {  	s8 =	sadd.s32 s8, s5;
	s5 =	sadd.s32 $0xD200, s7;
	s10 =	sshrl.u32 s10, $0x2  }
0xa: {  	s11 =	ssub.s32 s6, s30;
	s6 =	sor.u32 $0x1C01, s31;
	s8 =	sshrl.u32 s8, $0x3  }
0xb: {  	s10 =	sadd.s32 s10, s2;
	s9 =	sadd.s32 s4, s7;
	s4 =	sadd.s32 $0xFA00, s7  }
0xc: {  	s8 =	sadd.s32 s8, s7;
	s10 =	sshrl.u32 s10, $0x3;
	s7 =	sadd.s32 $0x3200, s9  }
0xd: {  	s8 =	sadd.s32 $0x10200, s8;
	s9 =	smax.u32 s11, $0x1;
	s11 =	simm.s32 $0x1  }
.LBB2_1:
0xe: {  	[spmem:s10], [sflag:s6] =	dma.local [hbm:s5], $0x2800  }
0xf: {  	_ =	swait.ge [sflag:s11], $0x2800  }
0x10: {  	[sflag:s11] =	ssyncset.done $0x0  }
0x11: {  	[sflag:s11] =	ssyncadd.s32 $0xFFFFD800  }
0x12: {  	[tilespmem:s12], [sflag:$0x1] =	stream.linear.gather [hbm4b:s4+s3], $0x3E80, $0x38;
	[tilespmem:$0x1A800] =	vst v63  }
0x13: {  	_ =	swait.ge [sflag:s11], $0x3E80  }
0x14: {  	[sflag:s11] =	ssyncset.done $0x0  }
0x15: {  	[sflag:s11] =	ssyncadd.s32 $0xFFFFC180  }
0x16: {  	[tilespmem:s3], [sflag:$0x1] =	stream.linear.gather [hbm4b:s7+s3], $0x2800, $0x38;
	[tilespmem:$0x1A800] =	vst v63  }
0x17: {  	_ =	swait.ge [sflag:s11], $0x2800  }
0x18: {  	[sflag:s11] =	ssyncset.done $0x0  }
0x19: {  	[sflag:s11] =	ssyncadd.s32 $0xFFFFD800  }
0x1a: {  	s15 =	simm.s32 $0x0;
	[bflag:$0x0] =	sbarrier.arrive $0xFFFF  }
0x1b: {  	[spmem:s2] =	stream.indirect.scatter.add.f32 [tilespmem:s12], [sflag:$0x1], $0x80, s15, s13, $0xb8;
	[tilespmem:$0x1A800] =	vst v63  }
0x1c: {  	_ =	swait.ge [sflag:s11], $0x3E80  }
0x1d: {  	s15 =	simm.s32 $0x200;
	[sflag:s11] =	ssyncset.done $0x0  }
.LBB2_2:
0x1e: {  	s16 =	sshra.s32 s15, $0x2;
	[sflag:s11] =	ssyncadd.s32 $0xFFFFC180;
	p0 =	sne.s32 s15, $0x9E00  }
0x1f: {  	[spmem:s2] =	stream.indirect.scatter.add.f32 [tilespmem:s12], [sflag:$0x1], $0x80, s16, s13, $0xb8;
	[tilespmem:$0x1A800] =	vst v63  }
.Ltmp0:
0x20: {  	_ = 	snop;
	(pc) =	sbr.rel @p0 .LBB2_2-.Ltmp0, $4  }
0x21: {  	_ = 	snop  }
0x22: {  	s15 =	sadd.s32 $0x200, s15  }
0x23: {  	_ =	swait.ge [sflag:s11], $0x3E80  }
0x24: {  	[sflag:s11] =	ssyncset.done $0x0  }
0x25: {  	s14 =	sadd.s32 $0x1, s14  }
0x26: {  	[sflag:s11] =	ssyncadd.s32 $0xFFFFC180;
	p0 =	sne.s32 s14, s9  }
.Ltmp1:
0x27: {  	[bflag:$0x0] =	sbarrier.arrive $0xFFFF;
	(pc) =	sbr.rel @p0 .LBB2_1-.Ltmp1, $4  }
0x28: {  	[hbm:s8], [sflag:s6] =	dma.local [spmem:s10], $0x2800  }
0x29: {  	_ =	swait.ge [sflag:s11], $0x2800  }
0x2a: {  	[sflag:s11] =	ssyncset.done $0x0  }
0x2b: {  	[sflag:s11] =	ssyncadd.s32 $0xFFFFD800  }
0x2c: {  	_ =	sfence.sel $0x180000  }
0x2d: {  	[bflag:$0x0] =	sbarrier.arrive $0xFFFF  }
0x2e: {  	p0 =	sne.s32 s0, $0x0;
	_ =	strace $0x90000047  }
0x2f: {  	s0 =	sadd.s32 @!p0 $0x100000, s1;
	[bflag:$0x2] =	sbarrier.arrive $0xFFFF  }
0x30: {  	[sflag:s0] =	ssyncadd.tile.s32 @!p0 $0x1;
	_ =	shalt  }
.Lfunc_end2:
_tile_overlayer_lowered:
.L_overlay_start_2:
0x31: {  	(tag) =	ssettag $0x2  }
0x32: {  	s0 =	rddreg [dreg:$0x0];
	s2 =	stileid.u32  }
0x33: {  	s1 =	rddreg [dreg:$0x1];
	p0 =	sne.s32 s2, $0x0  }
0x34: {  	s3 =	rddreg [dreg:$0x2];
	[bflag:$0x3] =	sbarrier.arrive $0xFFFF;
	s2 =	simm.s32 @!p0 $0x1C01  }
0x35: {  	[timem:s3], [sflag:s2] =	dma.local @!p0 [hbm:s0], s1  }
0x36: {  	s0 =	simm.s32 @!p0 $0x1  }
0x37: {  	_ =	swait.ge @!p0 [sflag:s0], s1  }
0x38: {  	s1 =	ssub.s32 @!p0 $0x0, s1;
	[sflag:s0] =	ssyncset.done @!p0 $0x0  }
0x39: {  	[sflag:s0] =	ssyncadd.s32 @!p0 s1  }
0x3a: {  	[bflag:$0x3] =	sbarrier.arrive $0xFFFF  }
0x3b: {  	_ =	shalt  }

</sc_bundles>
